<compile_context>
chip_gen: v7x
topology: tpu7x:2x2x1
jax: 0.10.2.dev20260603
libtpu: 0.0.44.dev20260713+nightly
codegen_flags: <defaults>
</compile_context>

<pallas_src>
import functools

import jax
import jax.numpy as jnp
from jax import lax
from jax.experimental import pallas as pl
from jax.experimental.pallas import tpu as pltpu
from jax.experimental.pallas import tpu_sc as plsc

N_NODES = 10000
N_EDGES = 320000
D = 128
N_CLASSES = 40
N_LAYERS = 3
BN_EPS = 1e-5

NC = 2
NS = 16
NW = NC * NS
E_W = N_EDGES // NW
CH = 80
NCH = E_W // CH
INIT_TILES = 10
R_T = N_NODES // INIT_TILES

_sc_mesh = plsc.VectorSubcoreMesh(core_axis_name="c", subcore_axis_name="s")


@functools.partial(
    pl.kernel,
    out_type=jax.ShapeDtypeStruct((NC * N_NODES, D), jnp.float32),
    mesh=_sc_mesh,
    scratch_types=[
        pltpu.VMEM((NCH, CH), jnp.int32),
        pltpu.VMEM((NCH, CH), jnp.int32),
        pltpu.VMEM((CH, D), jnp.float32),
        pltpu.VMEM_SHARED((N_NODES, D), jnp.float32),
        pltpu.SemaphoreType.DMA,
    ],
)
def _segsum_sc(h_hbm, src_hbm, dst_hbm, zeros_hbm, out_hbm,
               src_v, dst_v, rows_v, acc_sh, sem):
    cid = lax.axis_index("c")
    sid = lax.axis_index("s")
    wid = sid * NC + cid
    pltpu.sync_copy(src_hbm.at[wid], src_v)
    pltpu.sync_copy(dst_hbm.at[wid], dst_v)
    @pl.when(sid < INIT_TILES)
    def _():
        pltpu.sync_copy(zeros_hbm.at[pl.ds(sid * R_T, R_T)],
                        acc_sh.at[pl.ds(sid * R_T, R_T)])

    plsc.subcore_barrier()

    def body(j, carry):
        pltpu.async_copy(h_hbm.at[src_v.at[j]], rows_v, sem).wait()
        pltpu.sync_copy(rows_v, acc_sh.at[dst_v.at[j]], add=True)
        return carry

    lax.fori_loop(0, NCH, body, 0)
    plsc.subcore_barrier()

    @pl.when(sid < INIT_TILES)
    def _():
        pltpu.sync_copy(acc_sh.at[pl.ds(sid * R_T, R_T)],
                        out_hbm.at[pl.ds(cid * N_NODES + sid * R_T, R_T)])


ROWS_B = 1000
N_BLK = N_NODES // ROWS_B


def _mlp_body(h_ref, p0_ref, p1_ref, w1_ref, b1_ref, w2_ref, b2_ref,
              y_ref, sum_ref, sq_ref):
    x = h_ref[...] + p0_ref[...] + p1_ref[...]
    t = jnp.maximum(
        jnp.dot(x, w1_ref[...], preferred_element_type=jnp.float32)
        + b1_ref[...], 0.0)
    y = jnp.maximum(
        jnp.dot(t, w2_ref[...], preferred_element_type=jnp.float32)
        + b2_ref[...], 0.0)
    y_ref[...] = y
    i = pl.program_id(0)

    @pl.when(i == 0)
    def _():
        sum_ref[...] = jnp.zeros_like(sum_ref)
        sq_ref[...] = jnp.zeros_like(sq_ref)

    sum_ref[...] += jnp.sum(y, axis=0, keepdims=True)
    sq_ref[...] += jnp.sum(y * y, axis=0, keepdims=True)


_mlp_call = pl.pallas_call(
    _mlp_body,
    grid=(N_BLK,),
    in_specs=[
        pl.BlockSpec((ROWS_B, D), lambda i: (i, 0)),
        pl.BlockSpec((ROWS_B, D), lambda i: (i, 0)),
        pl.BlockSpec((ROWS_B, D), lambda i: (i, 0)),
        pl.BlockSpec((D, D), lambda i: (0, 0)),
        pl.BlockSpec((1, D), lambda i: (0, 0)),
        pl.BlockSpec((D, D), lambda i: (0, 0)),
        pl.BlockSpec((1, D), lambda i: (0, 0)),
    ],
    out_specs=[
        pl.BlockSpec((ROWS_B, D), lambda i: (i, 0)),
        pl.BlockSpec((1, D), lambda i: (0, 0)),
        pl.BlockSpec((1, D), lambda i: (0, 0)),
    ],
    out_shape=[
        jax.ShapeDtypeStruct((N_NODES, D), jnp.float32),
        jax.ShapeDtypeStruct((1, D), jnp.float32),
        jax.ShapeDtypeStruct((1, D), jnp.float32),
    ],
)


def _bn_body(y_ref, sum_ref, sq_ref, g_ref, be_ref, out_ref):
    mean = sum_ref[...] * (1.0 / N_NODES)
    var = sq_ref[...] * (1.0 / N_NODES) - mean * mean
    a = lax.rsqrt(var + BN_EPS) * g_ref[...]
    b = be_ref[...] - mean * a
    out_ref[...] = y_ref[...] * a + b


_bn_call = pl.pallas_call(
    _bn_body,
    grid=(N_BLK,),
    in_specs=[
        pl.BlockSpec((ROWS_B, D), lambda i: (i, 0)),
        pl.BlockSpec((1, D), lambda i: (0, 0)),
        pl.BlockSpec((1, D), lambda i: (0, 0)),
        pl.BlockSpec((1, D), lambda i: (0, 0)),
        pl.BlockSpec((1, D), lambda i: (0, 0)),
    ],
    out_specs=pl.BlockSpec((ROWS_B, D), lambda i: (i, 0)),
    out_shape=jax.ShapeDtypeStruct((N_NODES, D), jnp.float32),
)


def _head_body(h_ref, w1_ref, b1_ref, w2_ref, b2_ref, out_ref):
    t = jnp.maximum(
        jnp.dot(h_ref[...], w1_ref[...], preferred_element_type=jnp.float32)
        + b1_ref[...], 0.0)
    logits = (jnp.dot(t, w2_ref[...], preferred_element_type=jnp.float32)
              + b2_ref[...])
    m = jnp.max(logits, axis=1, keepdims=True)
    z = logits - m
    lse = jnp.log(jnp.sum(jnp.exp(z), axis=1, keepdims=True))
    out_ref[...] = z - lse


_head_call = pl.pallas_call(
    _head_body,
    grid=(N_BLK,),
    in_specs=[
        pl.BlockSpec((ROWS_B, D), lambda i: (i, 0)),
        pl.BlockSpec((D, D), lambda i: (0, 0)),
        pl.BlockSpec((1, D), lambda i: (0, 0)),
        pl.BlockSpec((D, N_CLASSES), lambda i: (0, 0)),
        pl.BlockSpec((1, N_CLASSES), lambda i: (0, 0)),
    ],
    out_specs=pl.BlockSpec((ROWS_B, N_CLASSES), lambda i: (i, 0)),
    out_shape=jax.ShapeDtypeStruct((N_NODES, N_CLASSES), jnp.float32),
)


def kernel(features, edge_index, W1, b1, W2, b2, bn_gamma, bn_beta,
           fc1_W, fc1_b, fc2_W, fc2_b):
    src = edge_index[0].astype(jnp.int32).reshape(NW, NCH, CH)
    dst = edge_index[1].astype(jnp.int32).reshape(NW, NCH, CH)
    zeros = jnp.zeros((N_NODES, D), jnp.float32)
    b1r = b1.reshape(N_LAYERS, 1, D)
    b2r = b2.reshape(N_LAYERS, 1, D)
    gr = bn_gamma.reshape(N_LAYERS, 1, D)
    ber = bn_beta.reshape(N_LAYERS, 1, D)

    h = features
    for i in range(N_LAYERS):
        parts = _segsum_sc(h, src, dst, zeros)
        y, s, sq = _mlp_call(h, parts[:N_NODES], parts[N_NODES:],
                             W1[i], b1r[i], W2[i], b2r[i])
        h = _bn_call(y, s, sq, gr[i], ber[i])
    return _head_call(h, fc1_W, fc1_b.reshape(1, D), fc2_W,
                      fc2_b.reshape(1, N_CLASSES))

# --- scband reference (transcript-rebuilt; emitter-appended) ---
"""Pipeline reference for scband-gin-1211180778047 (READ-ONLY COPY).

The authoritative reference and input builder live on the scoring server;
editing this copy changes nothing except your own understanding.
"""

import jax, jax.numpy as jnp
import numpy as np

N_NODES = 10000
N_EDGES = 320000
D_IN = 128
D_HID = 128
N_CLASSES = 40
N_LAYERS = 3
BN_EPS = 1e-5


def setup_inputs(seed: int = 0) -> dict:
    key = jax.random.key(seed)
    ks = jax.random.split(key, 16)
    s = 1.0 / np.sqrt(D_HID)
    inp = {}
    inp["features"] = jax.random.normal(ks[0], (N_NODES, D_IN), dtype=jnp.float32)
    inp["edge_index"] = jax.random.randint(ks[1], (2, N_EDGES), 0, N_NODES, dtype=jnp.int64)
    # Stacked per-layer MLP params (all layers are 128->128->128 since in_feats == n_hidden)
    inp["W1"] = jax.random.uniform(ks[2], (N_LAYERS, D_HID, D_HID), jnp.float32, -s, s)
    inp["b1"] = jax.random.uniform(ks[3], (N_LAYERS, D_HID), jnp.float32, -s, s)
    inp["W2"] = jax.random.uniform(ks[4], (N_LAYERS, D_HID, D_HID), jnp.float32, -s, s)
    inp["b2"] = jax.random.uniform(ks[5], (N_LAYERS, D_HID), jnp.float32, -s, s)
    inp["bn_gamma"] = jnp.ones((N_LAYERS, D_HID), jnp.float32)
    inp["bn_beta"] = jnp.zeros((N_LAYERS, D_HID), jnp.float32)
    inp["fc1_W"] = jax.random.uniform(ks[6], (D_HID, D_HID), jnp.float32, -s, s)
    inp["fc1_b"] = jax.random.uniform(ks[7], (D_HID,), jnp.float32, -s, s)
    inp["fc2_W"] = jax.random.uniform(ks[8], (D_HID, N_CLASSES), jnp.float32, -s, s)
    inp["fc2_b"] = jax.random.uniform(ks[9], (N_CLASSES,), jnp.float32, -s, s)
    return inp


def reference(features, edge_index, W1, b1, W2, b2, bn_gamma, bn_beta, fc1_W, fc1_b, fc2_W, fc2_b):
    src = edge_index[0]
    dst = edge_index[1]
    n = features.shape[0]
    h = features
    for i in range(N_LAYERS):
        # GINConv, aggregator 'sum', eps=0 (not learned): rst = (1+eps)*h + sum_{j in N(v)} h_j
        agg = jax.ops.segment_sum(h[src], dst, num_segments=n)
        x = h + agg
        # apply_func MLP: Linear -> ReLU -> Linear
        x = jax.nn.relu(x @ W1[i] + b1[i]) @ W2[i] + b2[i]
        # outer F.relu in GIN.forward
        x = jax.nn.relu(x)
        # BatchNorm1d in training mode: batch statistics (biased variance)
        mean = jnp.mean(x, axis=0)
        var = jnp.var(x, axis=0)
        h = (x - mean) / jnp.sqrt(var + BN_EPS) * bn_gamma[i] + bn_beta[i]
    h = jax.nn.relu(h @ fc1_W + fc1_b)
    h = h @ fc2_W + fc2_b
    return jax.nn.log_softmax(h, axis=-1)

if __name__ == "__main__":
    import jax
    _d = setup_inputs()
    print(jax.jit(kernel)(*tuple(_d.values())))

</pallas_src>

<mosaic_0001>
#map = affine_map<(d0, d1) -> (0, 0)>
#map1 = affine_map<(d0, d1) -> (0, 0, 0)>
module attributes {stable_mosaic.version = 14 : i64} {
  func.func @_segsum_sc(%arg0: i32, %arg1: i32, %arg2: memref<10000x128xf32, #tpu.memory_space<hbm>>, %arg3: memref<32x125x80xi32, #tpu.memory_space<hbm>>, %arg4: memref<32x125x80xi32, #tpu.memory_space<hbm>>, %arg5: memref<10000x128xf32, #tpu.memory_space<hbm>>, %arg6: memref<20000x128xf32, #tpu.memory_space<hbm>>, %arg7: memref<125x80xi32, #tpu.memory_space<vmem>>, %arg8: memref<125x80xi32, #tpu.memory_space<vmem>>, %arg9: memref<80x128xf32, #tpu.memory_space<vmem>>, %arg10: memref<10000x128xf32, #tpu.memory_space<vmem_shared>>, %arg11: memref<!tpu.dma_semaphore, #tpu.memory_space<semaphore_mem>>) attributes {dimension_semantics = [#tpu.dimension_semantics<core_parallel>, #tpu.dimension_semantics<subcore_parallel>], iteration_bounds = array<i64: 2, 16>, scalar_prefetch = 0 : i64, scratch_operands = 5 : i64, tpu.core_type = #tpu.core_type<sc_vector_subcore>, window_params = [{transform_indices = #map}, {transform_indices = #map1}, {transform_indices = #map1}, {transform_indices = #map}, {transform_indices = #map}]} {
    %mul3A = arith.constant 2 : i32
    %mul3A_0 = arith.muli %arg1, %mul3A : i32
    %add3A = arith.addi %mul3A_0, %arg0 : i32
    "tpu.region"() ({
      %run_scoped3A = tpu.sem_alloc : memref<!tpu.dma_semaphore, #tpu.memory_space<semaphore_mem>>
      %dma_start3A = arith.constant 0 : i32
      %dma_start3A_14 = arith.constant 0 : i32
      %dma_start3A_15 = tpu.memref_slice %arg3[%add3A, %dma_start3A, %dma_start3A_14] : memref<32x125x80xi32, #tpu.memory_space<hbm>> -> memref<1x125x80xi32, #tpu.memory_space<hbm>>
      %dma_start3A_16 = tpu.memref_squeeze %dma_start3A_15 : memref<1x125x80xi32, #tpu.memory_space<hbm>> -> memref<125x80xi32, #tpu.memory_space<hbm>>
      %dma_start3A_17 = arith.constant 0 : i32
      %dma_start3A_18 = arith.constant 0 : i32
      %dma_start3A_19 = tpu.memref_slice %arg3[%add3A, %dma_start3A_17, %dma_start3A_18] : memref<32x125x80xi32, #tpu.memory_space<hbm>> -> memref<1x125x80xi32, #tpu.memory_space<hbm>>
      %dma_start3A_20 = tpu.memref_squeeze %dma_start3A_19 : memref<1x125x80xi32, #tpu.memory_space<hbm>> -> memref<125x80xi32, #tpu.memory_space<hbm>>
      tpu.enqueue_dma source(%dma_start3A_20 : memref<125x80xi32, #tpu.memory_space<hbm>>) target(%arg7 : memref<125x80xi32, #tpu.memory_space<vmem>>) target_semaphore(%run_scoped3A : memref<!tpu.dma_semaphore, #tpu.memory_space<semaphore_mem>>)
      %dma_wait3A = arith.constant 0 : i32
      %dma_wait3A_21 = arith.constant 0 : i32
      %dma_wait3A_22 = tpu.memref_slice %arg3[%add3A, %dma_wait3A, %dma_wait3A_21] : memref<32x125x80xi32, #tpu.memory_space<hbm>> -> memref<1x125x80xi32, #tpu.memory_space<hbm>>
      %dma_wait3A_23 = tpu.memref_squeeze %dma_wait3A_22 : memref<1x125x80xi32, #tpu.memory_space<hbm>> -> memref<125x80xi32, #tpu.memory_space<hbm>>
      %dma_wait3A_24 = arith.constant 0 : i32
      %dma_wait3A_25 = arith.constant 0 : i32
      %dma_wait3A_26 = tpu.memref_slice %arg3[%add3A, %dma_wait3A_24, %dma_wait3A_25] : memref<32x125x80xi32, #tpu.memory_space<hbm>> -> memref<1x125x80xi32, #tpu.memory_space<hbm>>
      %dma_wait3A_27 = tpu.memref_squeeze %dma_wait3A_26 : memref<1x125x80xi32, #tpu.memory_space<hbm>> -> memref<125x80xi32, #tpu.memory_space<hbm>>
      tpu.wait_dma2 semaphore(%run_scoped3A : memref<!tpu.dma_semaphore, #tpu.memory_space<semaphore_mem>>) src(%dma_wait3A_27 : memref<125x80xi32, #tpu.memory_space<hbm>>) dst(%arg7 : memref<125x80xi32, #tpu.memory_space<vmem>>)
      tpu.yield
    }) : () -> ()
    "tpu.region"() ({
      %run_scoped3A = tpu.sem_alloc : memref<!tpu.dma_semaphore, #tpu.memory_space<semaphore_mem>>
      %dma_start3A = arith.constant 0 : i32
      %dma_start3A_14 = arith.constant 0 : i32
      %dma_start3A_15 = tpu.memref_slice %arg4[%add3A, %dma_start3A, %dma_start3A_14] : memref<32x125x80xi32, #tpu.memory_space<hbm>> -> memref<1x125x80xi32, #tpu.memory_space<hbm>>
      %dma_start3A_16 = tpu.memref_squeeze %dma_start3A_15 : memref<1x125x80xi32, #tpu.memory_space<hbm>> -> memref<125x80xi32, #tpu.memory_space<hbm>>
      %dma_start3A_17 = arith.constant 0 : i32
      %dma_start3A_18 = arith.constant 0 : i32
      %dma_start3A_19 = tpu.memref_slice %arg4[%add3A, %dma_start3A_17, %dma_start3A_18] : memref<32x125x80xi32, #tpu.memory_space<hbm>> -> memref<1x125x80xi32, #tpu.memory_space<hbm>>
      %dma_start3A_20 = tpu.memref_squeeze %dma_start3A_19 : memref<1x125x80xi32, #tpu.memory_space<hbm>> -> memref<125x80xi32, #tpu.memory_space<hbm>>
      tpu.enqueue_dma source(%dma_start3A_20 : memref<125x80xi32, #tpu.memory_space<hbm>>) target(%arg8 : memref<125x80xi32, #tpu.memory_space<vmem>>) target_semaphore(%run_scoped3A : memref<!tpu.dma_semaphore, #tpu.memory_space<semaphore_mem>>)
      %dma_wait3A = arith.constant 0 : i32
      %dma_wait3A_21 = arith.constant 0 : i32
      %dma_wait3A_22 = tpu.memref_slice %arg4[%add3A, %dma_wait3A, %dma_wait3A_21] : memref<32x125x80xi32, #tpu.memory_space<hbm>> -> memref<1x125x80xi32, #tpu.memory_space<hbm>>
      %dma_wait3A_23 = tpu.memref_squeeze %dma_wait3A_22 : memref<1x125x80xi32, #tpu.memory_space<hbm>> -> memref<125x80xi32, #tpu.memory_space<hbm>>
      %dma_wait3A_24 = arith.constant 0 : i32
      %dma_wait3A_25 = arith.constant 0 : i32
      %dma_wait3A_26 = tpu.memref_slice %arg4[%add3A, %dma_wait3A_24, %dma_wait3A_25] : memref<32x125x80xi32, #tpu.memory_space<hbm>> -> memref<1x125x80xi32, #tpu.memory_space<hbm>>
      %dma_wait3A_27 = tpu.memref_squeeze %dma_wait3A_26 : memref<1x125x80xi32, #tpu.memory_space<hbm>> -> memref<125x80xi32, #tpu.memory_space<hbm>>
      tpu.wait_dma2 semaphore(%run_scoped3A : memref<!tpu.dma_semaphore, #tpu.memory_space<semaphore_mem>>) src(%dma_wait3A_27 : memref<125x80xi32, #tpu.memory_space<hbm>>) dst(%arg8 : memref<125x80xi32, #tpu.memory_space<vmem>>)
      tpu.yield
    }) : () -> ()
    %lt3A = arith.constant 10 : i32
    %lt3A_1 = arith.cmpi slt, %arg1, %lt3A : i32
    %convert_element_type3A = arith.extui %lt3A_1 : i1 to i32
    %cond3A = arith.constant 0 : i32
    %cond3A_2 = arith.cmpi ne, %convert_element_type3A, %cond3A : i32
    scf.if %cond3A_2 {
      %mul3A_14 = arith.constant 1000 : i32
      %mul3A_15 = arith.muli %arg1, %mul3A_14 : i32
      %mul3A_16 = arith.constant 1000 : i32
      %mul3A_17 = arith.muli %arg1, %mul3A_16 : i32
      "tpu.region"() ({
        %run_scoped3A = tpu.sem_alloc : memref<!tpu.dma_semaphore, #tpu.memory_space<semaphore_mem>>
        %dma_start3A = arith.constant 0 : i32
        %dma_start3A_18 = tpu.memref_slice %arg10[%mul3A_17, %dma_start3A] : memref<10000x128xf32, #tpu.memory_space<vmem_shared>> -> memref<1000x128xf32, #tpu.memory_space<vmem_shared>>
        %dma_start3A_19 = arith.constant 0 : i32
        %dma_start3A_20 = tpu.memref_slice %arg5[%mul3A_15, %dma_start3A_19] : memref<10000x128xf32, #tpu.memory_space<hbm>> -> memref<1000x128xf32, #tpu.memory_space<hbm>>
        tpu.enqueue_dma source(%dma_start3A_20 : memref<1000x128xf32, #tpu.memory_space<hbm>>) target(%dma_start3A_18 : memref<1000x128xf32, #tpu.memory_space<vmem_shared>>) target_semaphore(%run_scoped3A : memref<!tpu.dma_semaphore, #tpu.memory_space<semaphore_mem>>)
        %dma_wait3A = arith.constant 0 : i32
        %dma_wait3A_21 = tpu.memref_slice %arg10[%mul3A_17, %dma_wait3A] : memref<10000x128xf32, #tpu.memory_space<vmem_shared>> -> memref<1000x128xf32, #tpu.memory_space<vmem_shared>>
        %dma_wait3A_22 = arith.constant 0 : i32
        %dma_wait3A_23 = tpu.memref_slice %arg5[%mul3A_15, %dma_wait3A_22] : memref<10000x128xf32, #tpu.memory_space<hbm>> -> memref<1000x128xf32, #tpu.memory_space<hbm>>
        tpu.wait_dma2 semaphore(%run_scoped3A : memref<!tpu.dma_semaphore, #tpu.memory_space<semaphore_mem>>) src(%dma_wait3A_23 : memref<1000x128xf32, #tpu.memory_space<hbm>>) dst(%dma_wait3A_21 : memref<1000x128xf32, #tpu.memory_space<vmem_shared>>)
        tpu.yield
      }) : () -> ()
    } else {
    }
    %barrier3A = arith.constant 0 : index
    tpu.barrier barrier_id(%barrier3A)
    %scan3A = arith.constant 0 : i32
    %scan3A_3 = arith.constant 0 : i32
    %scan3A_4 = arith.constant 125 : i32
    %scan3A_5 = arith.addi %scan3A_3, %scan3A_4 : i32
    %scan3A_6 = arith.constant 1 : i32
    scf.for %scan3A_14 = %scan3A_3 to %scan3A_5 step %scan3A_6  : i32 {
      %dma_start3A = arith.constant 0 : i32
      %dma_start3A_15 = tpu.memref_slice %arg7[%scan3A_14, %dma_start3A] : memref<125x80xi32, #tpu.memory_space<vmem>> -> memref<1x80xi32, #tpu.memory_space<vmem>>
      %dma_start3A_16 = tpu.memref_squeeze %dma_start3A_15 : memref<1x80xi32, #tpu.memory_space<vmem>> -> memref<80xi32, #tpu.memory_space<vmem>>
      %dma_start3A_17 = arith.constant 0 : i32
      %dma_start3A_18 = arith.constant 0 : i32
      %dma_start3A_19 = tpu.memref_slice %arg2[%dma_start3A_17, %dma_start3A_18] : memref<10000x128xf32, #tpu.memory_space<hbm>> -> memref<10000x128xf32, #tpu.memory_space<hbm>>
      tpu.enqueue_indirect_dma source(%dma_start3A_19 : memref<10000x128xf32, #tpu.memory_space<hbm>>) target(%arg9 : memref<80x128xf32, #tpu.memory_space<vmem>>) offsets(%dma_start3A_16 : memref<80xi32, #tpu.memory_space<vmem>>) semaphore(%arg11 : memref<!tpu.dma_semaphore, #tpu.memory_space<semaphore_mem>>)
      %dma_wait3A = arith.constant 0 : i32
      %dma_wait3A_20 = tpu.memref_slice %arg7[%scan3A_14, %dma_wait3A] : memref<125x80xi32, #tpu.memory_space<vmem>> -> memref<1x80xi32, #tpu.memory_space<vmem>>
      %dma_wait3A_21 = tpu.memref_squeeze %dma_wait3A_20 : memref<1x80xi32, #tpu.memory_space<vmem>> -> memref<80xi32, #tpu.memory_space<vmem>>
      %dma_wait3A_22 = arith.constant 0 : i32
      %dma_wait3A_23 = arith.constant 0 : i32
      %dma_wait3A_24 = tpu.memref_slice %arg2[%dma_wait3A_22, %dma_wait3A_23] : memref<10000x128xf32, #tpu.memory_space<hbm>> -> memref<10000x128xf32, #tpu.memory_space<hbm>>
      tpu.wait_indirect_dma semaphore(%arg11 : memref<!tpu.dma_semaphore, #tpu.memory_space<semaphore_mem>>) src(%dma_wait3A_24 : memref<10000x128xf32, #tpu.memory_space<hbm>>) dst(%arg9 : memref<80x128xf32, #tpu.memory_space<vmem>>)
      "tpu.region"() ({
        %run_scoped3A = tpu.sem_alloc : memref<!tpu.dma_semaphore, #tpu.memory_space<semaphore_mem>>
        %dma_start3A_25 = arith.constant 0 : i32
        %dma_start3A_26 = tpu.memref_slice %arg8[%scan3A_14, %dma_start3A_25] : memref<125x80xi32, #tpu.memory_space<vmem>> -> memref<1x80xi32, #tpu.memory_space<vmem>>
        %dma_start3A_27 = tpu.memref_squeeze %dma_start3A_26 : memref<1x80xi32, #tpu.memory_space<vmem>> -> memref<80xi32, #tpu.memory_space<vmem>>
        %dma_start3A_28 = arith.constant 0 : i32
        %dma_start3A_29 = arith.constant 0 : i32
        %dma_start3A_30 = tpu.memref_slice %arg10[%dma_start3A_28, %dma_start3A_29] : memref<10000x128xf32, #tpu.memory_space<vmem_shared>> -> memref<10000x128xf32, #tpu.memory_space<vmem_shared>>
        tpu.enqueue_indirect_dma source(%arg9 : memref<80x128xf32, #tpu.memory_space<vmem>>) target(%dma_start3A_30 : memref<10000x128xf32, #tpu.memory_space<vmem_shared>>) offsets(%dma_start3A_27 : memref<80xi32, #tpu.memory_space<vmem>>) semaphore(%run_scoped3A : memref<!tpu.dma_semaphore, #tpu.memory_space<semaphore_mem>>) {add = true}
        %dma_wait3A_31 = arith.constant 0 : i32
        %dma_wait3A_32 = tpu.memref_slice %arg8[%scan3A_14, %dma_wait3A_31] : memref<125x80xi32, #tpu.memory_space<vmem>> -> memref<1x80xi32, #tpu.memory_space<vmem>>
        %dma_wait3A_33 = tpu.memref_squeeze %dma_wait3A_32 : memref<1x80xi32, #tpu.memory_space<vmem>> -> memref<80xi32, #tpu.memory_space<vmem>>
        %dma_wait3A_34 = arith.constant 0 : i32
        %dma_wait3A_35 = arith.constant 0 : i32
        %dma_wait3A_36 = tpu.memref_slice %arg10[%dma_wait3A_34, %dma_wait3A_35] : memref<10000x128xf32, #tpu.memory_space<vmem_shared>> -> memref<10000x128xf32, #tpu.memory_space<vmem_shared>>
        tpu.wait_indirect_dma semaphore(%run_scoped3A : memref<!tpu.dma_semaphore, #tpu.memory_space<semaphore_mem>>) src(%arg9 : memref<80x128xf32, #tpu.memory_space<vmem>>) dst(%dma_wait3A_36 : memref<10000x128xf32, #tpu.memory_space<vmem_shared>>)
        tpu.yield
      }) : () -> ()
    }
    %scan3A_7 = arith.constant 125 : i32
    %barrier3A_8 = arith.constant 0 : index
    tpu.barrier barrier_id(%barrier3A_8)
    %lt3A_9 = arith.constant 10 : i32
    %lt3A_10 = arith.cmpi slt, %arg1, %lt3A_9 : i32
    %convert_element_type3A_11 = arith.extui %lt3A_10 : i1 to i32
    %cond3A_12 = arith.constant 0 : i32
    %cond3A_13 = arith.cmpi ne, %convert_element_type3A_11, %cond3A_12 : i32
    scf.if %cond3A_13 {
      %mul3A_14 = arith.constant 1000 : i32
      %mul3A_15 = arith.muli %arg1, %mul3A_14 : i32
      %mul3A_16 = arith.constant 10000 : i32
      %mul3A_17 = arith.muli %arg0, %mul3A_16 : i32
      %mul3A_18 = arith.constant 1000 : i32
      %mul3A_19 = arith.muli %arg1, %mul3A_18 : i32
      %add3A_20 = arith.addi %mul3A_17, %mul3A_19 : i32
      "tpu.region"() ({
        %run_scoped3A = tpu.sem_alloc : memref<!tpu.dma_semaphore, #tpu.memory_space<semaphore_mem>>
        %dma_start3A = arith.constant 0 : i32
        %dma_start3A_21 = tpu.memref_slice %arg6[%add3A_20, %dma_start3A] : memref<20000x128xf32, #tpu.memory_space<hbm>> -> memref<1000x128xf32, #tpu.memory_space<hbm>>
        %dma_start3A_22 = arith.constant 0 : i32
        %dma_start3A_23 = tpu.memref_slice %arg10[%mul3A_15, %dma_start3A_22] : memref<10000x128xf32, #tpu.memory_space<vmem_shared>> -> memref<1000x128xf32, #tpu.memory_space<vmem_shared>>
        tpu.enqueue_dma source(%dma_start3A_23 : memref<1000x128xf32, #tpu.memory_space<vmem_shared>>) target(%dma_start3A_21 : memref<1000x128xf32, #tpu.memory_space<hbm>>) target_semaphore(%run_scoped3A : memref<!tpu.dma_semaphore, #tpu.memory_space<semaphore_mem>>)
        %dma_wait3A = arith.constant 0 : i32
        %dma_wait3A_24 = tpu.memref_slice %arg6[%add3A_20, %dma_wait3A] : memref<20000x128xf32, #tpu.memory_space<hbm>> -> memref<1000x128xf32, #tpu.memory_space<hbm>>
        %dma_wait3A_25 = arith.constant 0 : i32
        %dma_wait3A_26 = tpu.memref_slice %arg10[%mul3A_15, %dma_wait3A_25] : memref<10000x128xf32, #tpu.memory_space<vmem_shared>> -> memref<1000x128xf32, #tpu.memory_space<vmem_shared>>
        tpu.wait_dma2 semaphore(%run_scoped3A : memref<!tpu.dma_semaphore, #tpu.memory_space<semaphore_mem>>) src(%dma_wait3A_26 : memref<1000x128xf32, #tpu.memory_space<vmem_shared>>) dst(%dma_wait3A_24 : memref<1000x128xf32, #tpu.memory_space<hbm>>)
        tpu.yield
      }) : () -> ()
    } else {
    }
    return
  }
}

#map = affine_map<(d0, d1) -> (0, 0)>
#map1 = affine_map<(d0, d1) -> (0, 0, 0)>
module attributes {stable_mosaic.version = 14 : i64} {
  func.func @_segsum_sc(%arg0: i32, %arg1: i32, %arg2: memref<10000x128xf32, #tpu.memory_space<hbm>>, %arg3: memref<32x125x80xi32, #tpu.memory_space<hbm>>, %arg4: memref<32x125x80xi32, #tpu.memory_space<hbm>>, %arg5: memref<10000x128xf32, #tpu.memory_space<hbm>>, %arg6: memref<20000x128xf32, #tpu.memory_space<hbm>>, %arg7: memref<125x80xi32, #tpu.memory_space<vmem>>, %arg8: memref<125x80xi32, #tpu.memory_space<vmem>>, %arg9: memref<80x128xf32, #tpu.memory_space<vmem>>, %arg10: memref<10000x128xf32, #tpu.memory_space<vmem_shared>>, %arg11: memref<!tpu.dma_semaphore, #tpu.memory_space<semaphore_mem>>) attributes {dimension_semantics = [#tpu.dimension_semantics<core_parallel>, #tpu.dimension_semantics<subcore_parallel>], iteration_bounds = array<i64: 2, 16>, scalar_prefetch = 0 : i64, scratch_operands = 5 : i64, tpu.core_type = #tpu.core_type<sc_vector_subcore>, window_params = [{transform_indices = #map}, {transform_indices = #map1}, {transform_indices = #map1}, {transform_indices = #map}, {transform_indices = #map}]} {
    %mul3A = arith.constant 2 : i32
    %mul3A_0 = arith.muli %arg1, %mul3A : i32
    %add3A = arith.addi %mul3A_0, %arg0 : i32
    "tpu.region"() ({
      %run_scoped3A = tpu.sem_alloc : memref<!tpu.dma_semaphore, #tpu.memory_space<semaphore_mem>>
      %dma_start3A = arith.constant 0 : i32
      %dma_start3A_14 = arith.constant 0 : i32
      %dma_start3A_15 = tpu.memref_slice %arg3[%add3A, %dma_start3A, %dma_start3A_14] : memref<32x125x80xi32, #tpu.memory_space<hbm>> -> memref<1x125x80xi32, #tpu.memory_space<hbm>>
      %dma_start3A_16 = tpu.memref_squeeze %dma_start3A_15 : memref<1x125x80xi32, #tpu.memory_space<hbm>> -> memref<125x80xi32, #tpu.memory_space<hbm>>
      %dma_start3A_17 = arith.constant 0 : i32
      %dma_start3A_18 = arith.constant 0 : i32
      %dma_start3A_19 = tpu.memref_slice %arg3[%add3A, %dma_start3A_17, %dma_start3A_18] : memref<32x125x80xi32, #tpu.memory_space<hbm>> -> memref<1x125x80xi32, #tpu.memory_space<hbm>>
      %dma_start3A_20 = tpu.memref_squeeze %dma_start3A_19 : memref<1x125x80xi32, #tpu.memory_space<hbm>> -> memref<125x80xi32, #tpu.memory_space<hbm>>
      tpu.enqueue_dma source(%dma_start3A_20 : memref<125x80xi32, #tpu.memory_space<hbm>>) target(%arg7 : memref<125x80xi32, #tpu.memory_space<vmem>>) target_semaphore(%run_scoped3A : memref<!tpu.dma_semaphore, #tpu.memory_space<semaphore_mem>>)
      %dma_wait3A = arith.constant 0 : i32
      %dma_wait3A_21 = arith.constant 0 : i32
      %dma_wait3A_22 = tpu.memref_slice %arg3[%add3A, %dma_wait3A, %dma_wait3A_21] : memref<32x125x80xi32, #tpu.memory_space<hbm>> -> memref<1x125x80xi32, #tpu.memory_space<hbm>>
      %dma_wait3A_23 = tpu.memref_squeeze %dma_wait3A_22 : memref<1x125x80xi32, #tpu.memory_space<hbm>> -> memref<125x80xi32, #tpu.memory_space<hbm>>
      %dma_wait3A_24 = arith.constant 0 : i32
      %dma_wait3A_25 = arith.constant 0 : i32
      %dma_wait3A_26 = tpu.memref_slice %arg3[%add3A, %dma_wait3A_24, %dma_wait3A_25] : memref<32x125x80xi32, #tpu.memory_space<hbm>> -> memref<1x125x80xi32, #tpu.memory_space<hbm>>
      %dma_wait3A_27 = tpu.memref_squeeze %dma_wait3A_26 : memref<1x125x80xi32, #tpu.memory_space<hbm>> -> memref<125x80xi32, #tpu.memory_space<hbm>>
      tpu.wait_dma2 semaphore(%run_scoped3A : memref<!tpu.dma_semaphore, #tpu.memory_space<semaphore_mem>>) src(%dma_wait3A_27 : memref<125x80xi32, #tpu.memory_space<hbm>>) dst(%arg7 : memref<125x80xi32, #tpu.memory_space<vmem>>)
      tpu.yield
    }) : () -> ()
    "tpu.region"() ({
      %run_scoped3A = tpu.sem_alloc : memref<!tpu.dma_semaphore, #tpu.memory_space<semaphore_mem>>
      %dma_start3A = arith.constant 0 : i32
      %dma_start3A_14 = arith.constant 0 : i32
      %dma_start3A_15 = tpu.memref_slice %arg4[%add3A, %dma_start3A, %dma_start3A_14] : memref<32x125x80xi32, #tpu.memory_space<hbm>> -> memref<1x125x80xi32, #tpu.memory_space<hbm>>
      %dma_start3A_16 = tpu.memref_squeeze %dma_start3A_15 : memref<1x125x80xi32, #tpu.memory_space<hbm>> -> memref<125x80xi32, #tpu.memory_space<hbm>>
      %dma_start3A_17 = arith.constant 0 : i32
      %dma_start3A_18 = arith.constant 0 : i32
      %dma_start3A_19 = tpu.memref_slice %arg4[%add3A, %dma_start3A_17, %dma_start3A_18] : memref<32x125x80xi32, #tpu.memory_space<hbm>> -> memref<1x125x80xi32, #tpu.memory_space<hbm>>
      %dma_start3A_20 = tpu.memref_squeeze %dma_start3A_19 : memref<1x125x80xi32, #tpu.memory_space<hbm>> -> memref<125x80xi32, #tpu.memory_space<hbm>>
      tpu.enqueue_dma source(%dma_start3A_20 : memref<125x80xi32, #tpu.memory_space<hbm>>) target(%arg8 : memref<125x80xi32, #tpu.memory_space<vmem>>) target_semaphore(%run_scoped3A : memref<!tpu.dma_semaphore, #tpu.memory_space<semaphore_mem>>)
      %dma_wait3A = arith.constant 0 : i32
      %dma_wait3A_21 = arith.constant 0 : i32
      %dma_wait3A_22 = tpu.memref_slice %arg4[%add3A, %dma_wait3A, %dma_wait3A_21] : memref<32x125x80xi32, #tpu.memory_space<hbm>> -> memref<1x125x80xi32, #tpu.memory_space<hbm>>
      %dma_wait3A_23 = tpu.memref_squeeze %dma_wait3A_22 : memref<1x125x80xi32, #tpu.memory_space<hbm>> -> memref<125x80xi32, #tpu.memory_space<hbm>>
      %dma_wait3A_24 = arith.constant 0 : i32
      %dma_wait3A_25 = arith.constant 0 : i32
      %dma_wait3A_26 = tpu.memref_slice %arg4[%add3A, %dma_wait3A_24, %dma_wait3A_25] : memref<32x125x80xi32, #tpu.memory_space<hbm>> -> memref<1x125x80xi32, #tpu.memory_space<hbm>>
      %dma_wait3A_27 = tpu.memref_squeeze %dma_wait3A_26 : memref<1x125x80xi32, #tpu.memory_space<hbm>> -> memref<125x80xi32, #tpu.memory_space<hbm>>
      tpu.wait_dma2 semaphore(%run_scoped3A : memref<!tpu.dma_semaphore, #tpu.memory_space<semaphore_mem>>) src(%dma_wait3A_27 : memref<125x80xi32, #tpu.memory_space<hbm>>) dst(%arg8 : memref<125x80xi32, #tpu.memory_space<vmem>>)
      tpu.yield
    }) : () -> ()
    %lt3A = arith.constant 10 : i32
    %lt3A_1 = arith.cmpi slt, %arg1, %lt3A : i32
    %convert_element_type3A = arith.extui %lt3A_1 : i1 to i32
    %cond3A = arith.constant 0 : i32
    %cond3A_2 = arith.cmpi ne, %convert_element_type3A, %cond3A : i32
    scf.if %cond3A_2 {
      %mul3A_14 = arith.constant 1000 : i32
      %mul3A_15 = arith.muli %arg1, %mul3A_14 : i32
      %mul3A_16 = arith.constant 1000 : i32
      %mul3A_17 = arith.muli %arg1, %mul3A_16 : i32
      "tpu.region"() ({
        %run_scoped3A = tpu.sem_alloc : memref<!tpu.dma_semaphore, #tpu.memory_space<semaphore_mem>>
        %dma_start3A = arith.constant 0 : i32
        %dma_start3A_18 = tpu.memref_slice %arg10[%mul3A_17, %dma_start3A] : memref<10000x128xf32, #tpu.memory_space<vmem_shared>> -> memref<1000x128xf32, #tpu.memory_space<vmem_shared>>
        %dma_start3A_19 = arith.constant 0 : i32
        %dma_start3A_20 = tpu.memref_slice %arg5[%mul3A_15, %dma_start3A_19] : memref<10000x128xf32, #tpu.memory_space<hbm>> -> memref<1000x128xf32, #tpu.memory_space<hbm>>
        tpu.enqueue_dma source(%dma_start3A_20 : memref<1000x128xf32, #tpu.memory_space<hbm>>) target(%dma_start3A_18 : memref<1000x128xf32, #tpu.memory_space<vmem_shared>>) target_semaphore(%run_scoped3A : memref<!tpu.dma_semaphore, #tpu.memory_space<semaphore_mem>>)
        %dma_wait3A = arith.constant 0 : i32
        %dma_wait3A_21 = tpu.memref_slice %arg10[%mul3A_17, %dma_wait3A] : memref<10000x128xf32, #tpu.memory_space<vmem_shared>> -> memref<1000x128xf32, #tpu.memory_space<vmem_shared>>
        %dma_wait3A_22 = arith.constant 0 : i32
        %dma_wait3A_23 = tpu.memref_slice %arg5[%mul3A_15, %dma_wait3A_22] : memref<10000x128xf32, #tpu.memory_space<hbm>> -> memref<1000x128xf32, #tpu.memory_space<hbm>>
        tpu.wait_dma2 semaphore(%run_scoped3A : memref<!tpu.dma_semaphore, #tpu.memory_space<semaphore_mem>>) src(%dma_wait3A_23 : memref<1000x128xf32, #tpu.memory_space<hbm>>) dst(%dma_wait3A_21 : memref<1000x128xf32, #tpu.memory_space<vmem_shared>>)
        tpu.yield
      }) : () -> ()
    } else {
    }
    %barrier3A = arith.constant 0 : index
    tpu.barrier barrier_id(%barrier3A)
    %scan3A = arith.constant 0 : i32
    %scan3A_3 = arith.constant 0 : i32
    %scan3A_4 = arith.constant 125 : i32
    %scan3A_5 = arith.addi %scan3A_3, %scan3A_4 : i32
    %scan3A_6 = arith.constant 1 : i32
    scf.for %scan3A_14 = %scan3A_3 to %scan3A_5 step %scan3A_6  : i32 {
      %dma_start3A = arith.constant 0 : i32
      %dma_start3A_15 = tpu.memref_slice %arg7[%scan3A_14, %dma_start3A] : memref<125x80xi32, #tpu.memory_space<vmem>> -> memref<1x80xi32, #tpu.memory_space<vmem>>
      %dma_start3A_16 = tpu.memref_squeeze %dma_start3A_15 : memref<1x80xi32, #tpu.memory_space<vmem>> -> memref<80xi32, #tpu.memory_space<vmem>>
      %dma_start3A_17 = arith.constant 0 : i32
      %dma_start3A_18 = arith.constant 0 : i32
      %dma_start3A_19 = tpu.memref_slice %arg2[%dma_start3A_17, %dma_start3A_18] : memref<10000x128xf32, #tpu.memory_space<hbm>> -> memref<10000x128xf32, #tpu.memory_space<hbm>>
      tpu.enqueue_indirect_dma source(%dma_start3A_19 : memref<10000x128xf32, #tpu.memory_space<hbm>>) target(%arg9 : memref<80x128xf32, #tpu.memory_space<vmem>>) offsets(%dma_start3A_16 : memref<80xi32, #tpu.memory_space<vmem>>) semaphore(%arg11 : memref<!tpu.dma_semaphore, #tpu.memory_space<semaphore_mem>>)
      %dma_wait3A = arith.constant 0 : i32
      %dma_wait3A_20 = tpu.memref_slice %arg7[%scan3A_14, %dma_wait3A] : memref<125x80xi32, #tpu.memory_space<vmem>> -> memref<1x80xi32, #tpu.memory_space<vmem>>
      %dma_wait3A_21 = tpu.memref_squeeze %dma_wait3A_20 : memref<1x80xi32, #tpu.memory_space<vmem>> -> memref<80xi32, #tpu.memory_space<vmem>>
      %dma_wait3A_22 = arith.constant 0 : i32
      %dma_wait3A_23 = arith.constant 0 : i32
      %dma_wait3A_24 = tpu.memref_slice %arg2[%dma_wait3A_22, %dma_wait3A_23] : memref<10000x128xf32, #tpu.memory_space<hbm>> -> memref<10000x128xf32, #tpu.memory_space<hbm>>
      tpu.wait_indirect_dma semaphore(%arg11 : memref<!tpu.dma_semaphore, #tpu.memory_space<semaphore_mem>>) src(%dma_wait3A_24 : memref<10000x128xf32, #tpu.memory_space<hbm>>) dst(%arg9 : memref<80x128xf32, #tpu.memory_space<vmem>>)
      "tpu.region"() ({
        %run_scoped3A = tpu.sem_alloc : memref<!tpu.dma_semaphore, #tpu.memory_space<semaphore_mem>>
        %dma_start3A_25 = arith.constant 0 : i32
        %dma_start3A_26 = tpu.memref_slice %arg8[%scan3A_14, %dma_start3A_25] : memref<125x80xi32, #tpu.memory_space<vmem>> -> memref<1x80xi32, #tpu.memory_space<vmem>>
        %dma_start3A_27 = tpu.memref_squeeze %dma_start3A_26 : memref<1x80xi32, #tpu.memory_space<vmem>> -> memref<80xi32, #tpu.memory_space<vmem>>
        %dma_start3A_28 = arith.constant 0 : i32
        %dma_start3A_29 = arith.constant 0 : i32
        %dma_start3A_30 = tpu.memref_slice %arg10[%dma_start3A_28, %dma_start3A_29] : memref<10000x128xf32, #tpu.memory_space<vmem_shared>> -> memref<10000x128xf32, #tpu.memory_space<vmem_shared>>
        tpu.enqueue_indirect_dma source(%arg9 : memref<80x128xf32, #tpu.memory_space<vmem>>) target(%dma_start3A_30 : memref<10000x128xf32, #tpu.memory_space<vmem_shared>>) offsets(%dma_start3A_27 : memref<80xi32, #tpu.memory_space<vmem>>) semaphore(%run_scoped3A : memref<!tpu.dma_semaphore, #tpu.memory_space<semaphore_mem>>) {add = true}
        %dma_wait3A_31 = arith.constant 0 : i32
        %dma_wait3A_32 = tpu.memref_slice %arg8[%scan3A_14, %dma_wait3A_31] : memref<125x80xi32, #tpu.memory_space<vmem>> -> memref<1x80xi32, #tpu.memory_space<vmem>>
        %dma_wait3A_33 = tpu.memref_squeeze %dma_wait3A_32 : memref<1x80xi32, #tpu.memory_space<vmem>> -> memref<80xi32, #tpu.memory_space<vmem>>
        %dma_wait3A_34 = arith.constant 0 : i32
        %dma_wait3A_35 = arith.constant 0 : i32
        %dma_wait3A_36 = tpu.memref_slice %arg10[%dma_wait3A_34, %dma_wait3A_35] : memref<10000x128xf32, #tpu.memory_space<vmem_shared>> -> memref<10000x128xf32, #tpu.memory_space<vmem_shared>>
        tpu.wait_indirect_dma semaphore(%run_scoped3A : memref<!tpu.dma_semaphore, #tpu.memory_space<semaphore_mem>>) src(%arg9 : memref<80x128xf32, #tpu.memory_space<vmem>>) dst(%dma_wait3A_36 : memref<10000x128xf32, #tpu.memory_space<vmem_shared>>)
        tpu.yield
      }) : () -> ()
    }
    %scan3A_7 = arith.constant 125 : i32
    %barrier3A_8 = arith.constant 0 : index
    tpu.barrier barrier_id(%barrier3A_8)
    %lt3A_9 = arith.constant 10 : i32
    %lt3A_10 = arith.cmpi slt, %arg1, %lt3A_9 : i32
    %convert_element_type3A_11 = arith.extui %lt3A_10 : i1 to i32
    %cond3A_12 = arith.constant 0 : i32
    %cond3A_13 = arith.cmpi ne, %convert_element_type3A_11, %cond3A_12 : i32
    scf.if %cond3A_13 {
      %mul3A_14 = arith.constant 1000 : i32
      %mul3A_15 = arith.muli %arg1, %mul3A_14 : i32
      %mul3A_16 = arith.constant 10000 : i32
      %mul3A_17 = arith.muli %arg0, %mul3A_16 : i32
      %mul3A_18 = arith.constant 1000 : i32
      %mul3A_19 = arith.muli %arg1, %mul3A_18 : i32
      %add3A_20 = arith.addi %mul3A_17, %mul3A_19 : i32
      "tpu.region"() ({
        %run_scoped3A = tpu.sem_alloc : memref<!tpu.dma_semaphore, #tpu.memory_space<semaphore_mem>>
        %dma_start3A = arith.constant 0 : i32
        %dma_start3A_21 = tpu.memref_slice %arg6[%add3A_20, %dma_start3A] : memref<20000x128xf32, #tpu.memory_space<hbm>> -> memref<1000x128xf32, #tpu.memory_space<hbm>>
        %dma_start3A_22 = arith.constant 0 : i32
        %dma_start3A_23 = tpu.memref_slice %arg10[%mul3A_15, %dma_start3A_22] : memref<10000x128xf32, #tpu.memory_space<vmem_shared>> -> memref<1000x128xf32, #tpu.memory_space<vmem_shared>>
        tpu.enqueue_dma source(%dma_start3A_23 : memref<1000x128xf32, #tpu.memory_space<vmem_shared>>) target(%dma_start3A_21 : memref<1000x128xf32, #tpu.memory_space<hbm>>) target_semaphore(%run_scoped3A : memref<!tpu.dma_semaphore, #tpu.memory_space<semaphore_mem>>)
        %dma_wait3A = arith.constant 0 : i32
        %dma_wait3A_24 = tpu.memref_slice %arg6[%add3A_20, %dma_wait3A] : memref<20000x128xf32, #tpu.memory_space<hbm>> -> memref<1000x128xf32, #tpu.memory_space<hbm>>
        %dma_wait3A_25 = arith.constant 0 : i32
        %dma_wait3A_26 = tpu.memref_slice %arg10[%mul3A_15, %dma_wait3A_25] : memref<10000x128xf32, #tpu.memory_space<vmem_shared>> -> memref<1000x128xf32, #tpu.memory_space<vmem_shared>>
        tpu.wait_dma2 semaphore(%run_scoped3A : memref<!tpu.dma_semaphore, #tpu.memory_space<semaphore_mem>>) src(%dma_wait3A_26 : memref<1000x128xf32, #tpu.memory_space<vmem_shared>>) dst(%dma_wait3A_24 : memref<1000x128xf32, #tpu.memory_space<hbm>>)
        tpu.yield
      }) : () -> ()
    } else {
    }
    return
  }
}

#map = affine_map<(d0, d1) -> (0, 0)>
#map1 = affine_map<(d0, d1) -> (0, 0, 0)>
module attributes {stable_mosaic.version = 14 : i64} {
  func.func @_segsum_sc(%arg0: i32, %arg1: i32, %arg2: memref<10000x128xf32, #tpu.memory_space<hbm>>, %arg3: memref<32x125x80xi32, #tpu.memory_space<hbm>>, %arg4: memref<32x125x80xi32, #tpu.memory_space<hbm>>, %arg5: memref<10000x128xf32, #tpu.memory_space<hbm>>, %arg6: memref<20000x128xf32, #tpu.memory_space<hbm>>, %arg7: memref<125x80xi32, #tpu.memory_space<vmem>>, %arg8: memref<125x80xi32, #tpu.memory_space<vmem>>, %arg9: memref<80x128xf32, #tpu.memory_space<vmem>>, %arg10: memref<10000x128xf32, #tpu.memory_space<vmem_shared>>, %arg11: memref<!tpu.dma_semaphore, #tpu.memory_space<semaphore_mem>>) attributes {dimension_semantics = [#tpu.dimension_semantics<core_parallel>, #tpu.dimension_semantics<subcore_parallel>], iteration_bounds = array<i64: 2, 16>, scalar_prefetch = 0 : i64, scratch_operands = 5 : i64, tpu.core_type = #tpu.core_type<sc_vector_subcore>, window_params = [{transform_indices = #map}, {transform_indices = #map1}, {transform_indices = #map1}, {transform_indices = #map}, {transform_indices = #map}]} {
    %mul3A = arith.constant 2 : i32
    %mul3A_0 = arith.muli %arg1, %mul3A : i32
    %add3A = arith.addi %mul3A_0, %arg0 : i32
    "tpu.region"() ({
      %run_scoped3A = tpu.sem_alloc : memref<!tpu.dma_semaphore, #tpu.memory_space<semaphore_mem>>
      %dma_start3A = arith.constant 0 : i32
      %dma_start3A_14 = arith.constant 0 : i32
      %dma_start3A_15 = tpu.memref_slice %arg3[%add3A, %dma_start3A, %dma_start3A_14] : memref<32x125x80xi32, #tpu.memory_space<hbm>> -> memref<1x125x80xi32, #tpu.memory_space<hbm>>
      %dma_start3A_16 = tpu.memref_squeeze %dma_start3A_15 : memref<1x125x80xi32, #tpu.memory_space<hbm>> -> memref<125x80xi32, #tpu.memory_space<hbm>>
      %dma_start3A_17 = arith.constant 0 : i32
      %dma_start3A_18 = arith.constant 0 : i32
      %dma_start3A_19 = tpu.memref_slice %arg3[%add3A, %dma_start3A_17, %dma_start3A_18] : memref<32x125x80xi32, #tpu.memory_space<hbm>> -> memref<1x125x80xi32, #tpu.memory_space<hbm>>
      %dma_start3A_20 = tpu.memref_squeeze %dma_start3A_19 : memref<1x125x80xi32, #tpu.memory_space<hbm>> -> memref<125x80xi32, #tpu.memory_space<hbm>>
      tpu.enqueue_dma source(%dma_start3A_20 : memref<125x80xi32, #tpu.memory_space<hbm>>) target(%arg7 : memref<125x80xi32, #tpu.memory_space<vmem>>) target_semaphore(%run_scoped3A : memref<!tpu.dma_semaphore, #tpu.memory_space<semaphore_mem>>)
      %dma_wait3A = arith.constant 0 : i32
      %dma_wait3A_21 = arith.constant 0 : i32
      %dma_wait3A_22 = tpu.memref_slice %arg3[%add3A, %dma_wait3A, %dma_wait3A_21] : memref<32x125x80xi32, #tpu.memory_space<hbm>> -> memref<1x125x80xi32, #tpu.memory_space<hbm>>
      %dma_wait3A_23 = tpu.memref_squeeze %dma_wait3A_22 : memref<1x125x80xi32, #tpu.memory_space<hbm>> -> memref<125x80xi32, #tpu.memory_space<hbm>>
      %dma_wait3A_24 = arith.constant 0 : i32
      %dma_wait3A_25 = arith.constant 0 : i32
      %dma_wait3A_26 = tpu.memref_slice %arg3[%add3A, %dma_wait3A_24, %dma_wait3A_25] : memref<32x125x80xi32, #tpu.memory_space<hbm>> -> memref<1x125x80xi32, #tpu.memory_space<hbm>>
      %dma_wait3A_27 = tpu.memref_squeeze %dma_wait3A_26 : memref<1x125x80xi32, #tpu.memory_space<hbm>> -> memref<125x80xi32, #tpu.memory_space<hbm>>
      tpu.wait_dma2 semaphore(%run_scoped3A : memref<!tpu.dma_semaphore, #tpu.memory_space<semaphore_mem>>) src(%dma_wait3A_27 : memref<125x80xi32, #tpu.memory_space<hbm>>) dst(%arg7 : memref<125x80xi32, #tpu.memory_space<vmem>>)
      tpu.yield
    }) : () -> ()
    "tpu.region"() ({
      %run_scoped3A = tpu.sem_alloc : memref<!tpu.dma_semaphore, #tpu.memory_space<semaphore_mem>>
      %dma_start3A = arith.constant 0 : i32
      %dma_start3A_14 = arith.constant 0 : i32
      %dma_start3A_15 = tpu.memref_slice %arg4[%add3A, %dma_start3A, %dma_start3A_14] : memref<32x125x80xi32, #tpu.memory_space<hbm>> -> memref<1x125x80xi32, #tpu.memory_space<hbm>>
      %dma_start3A_16 = tpu.memref_squeeze %dma_start3A_15 : memref<1x125x80xi32, #tpu.memory_space<hbm>> -> memref<125x80xi32, #tpu.memory_space<hbm>>
      %dma_start3A_17 = arith.constant 0 : i32
      %dma_start3A_18 = arith.constant 0 : i32
      %dma_start3A_19 = tpu.memref_slice %arg4[%add3A, %dma_start3A_17, %dma_start3A_18] : memref<32x125x80xi32, #tpu.memory_space<hbm>> -> memref<1x125x80xi32, #tpu.memory_space<hbm>>
      %dma_start3A_20 = tpu.memref_squeeze %dma_start3A_19 : memref<1x125x80xi32, #tpu.memory_space<hbm>> -> memref<125x80xi32, #tpu.memory_space<hbm>>
      tpu.enqueue_dma source(%dma_start3A_20 : memref<125x80xi32, #tpu.memory_space<hbm>>) target(%arg8 : memref<125x80xi32, #tpu.memory_space<vmem>>) target_semaphore(%run_scoped3A : memref<!tpu.dma_semaphore, #tpu.memory_space<semaphore_mem>>)
      %dma_wait3A = arith.constant 0 : i32
      %dma_wait3A_21 = arith.constant 0 : i32
      %dma_wait3A_22 = tpu.memref_slice %arg4[%add3A, %dma_wait3A, %dma_wait3A_21] : memref<32x125x80xi32, #tpu.memory_space<hbm>> -> memref<1x125x80xi32, #tpu.memory_space<hbm>>
      %dma_wait3A_23 = tpu.memref_squeeze %dma_wait3A_22 : memref<1x125x80xi32, #tpu.memory_space<hbm>> -> memref<125x80xi32, #tpu.memory_space<hbm>>
      %dma_wait3A_24 = arith.constant 0 : i32
      %dma_wait3A_25 = arith.constant 0 : i32
      %dma_wait3A_26 = tpu.memref_slice %arg4[%add3A, %dma_wait3A_24, %dma_wait3A_25] : memref<32x125x80xi32, #tpu.memory_space<hbm>> -> memref<1x125x80xi32, #tpu.memory_space<hbm>>
      %dma_wait3A_27 = tpu.memref_squeeze %dma_wait3A_26 : memref<1x125x80xi32, #tpu.memory_space<hbm>> -> memref<125x80xi32, #tpu.memory_space<hbm>>
      tpu.wait_dma2 semaphore(%run_scoped3A : memref<!tpu.dma_semaphore, #tpu.memory_space<semaphore_mem>>) src(%dma_wait3A_27 : memref<125x80xi32, #tpu.memory_space<hbm>>) dst(%arg8 : memref<125x80xi32, #tpu.memory_space<vmem>>)
      tpu.yield
    }) : () -> ()
    %lt3A = arith.constant 10 : i32
    %lt3A_1 = arith.cmpi slt, %arg1, %lt3A : i32
    %convert_element_type3A = arith.extui %lt3A_1 : i1 to i32
    %cond3A = arith.constant 0 : i32
    %cond3A_2 = arith.cmpi ne, %convert_element_type3A, %cond3A : i32
    scf.if %cond3A_2 {
      %mul3A_14 = arith.constant 1000 : i32
      %mul3A_15 = arith.muli %arg1, %mul3A_14 : i32
      %mul3A_16 = arith.constant 1000 : i32
      %mul3A_17 = arith.muli %arg1, %mul3A_16 : i32
      "tpu.region"() ({
        %run_scoped3A = tpu.sem_alloc : memref<!tpu.dma_semaphore, #tpu.memory_space<semaphore_mem>>
        %dma_start3A = arith.constant 0 : i32
        %dma_start3A_18 = tpu.memref_slice %arg10[%mul3A_17, %dma_start3A] : memref<10000x128xf32, #tpu.memory_space<vmem_shared>> -> memref<1000x128xf32, #tpu.memory_space<vmem_shared>>
        %dma_start3A_19 = arith.constant 0 : i32
        %dma_start3A_20 = tpu.memref_slice %arg5[%mul3A_15, %dma_start3A_19] : memref<10000x128xf32, #tpu.memory_space<hbm>> -> memref<1000x128xf32, #tpu.memory_space<hbm>>
        tpu.enqueue_dma source(%dma_start3A_20 : memref<1000x128xf32, #tpu.memory_space<hbm>>) target(%dma_start3A_18 : memref<1000x128xf32, #tpu.memory_space<vmem_shared>>) target_semaphore(%run_scoped3A : memref<!tpu.dma_semaphore, #tpu.memory_space<semaphore_mem>>)
        %dma_wait3A = arith.constant 0 : i32
        %dma_wait3A_21 = tpu.memref_slice %arg10[%mul3A_17, %dma_wait3A] : memref<10000x128xf32, #tpu.memory_space<vmem_shared>> -> memref<1000x128xf32, #tpu.memory_space<vmem_shared>>
        %dma_wait3A_22 = arith.constant 0 : i32
        %dma_wait3A_23 = tpu.memref_slice %arg5[%mul3A_15, %dma_wait3A_22] : memref<10000x128xf32, #tpu.memory_space<hbm>> -> memref<1000x128xf32, #tpu.memory_space<hbm>>
        tpu.wait_dma2 semaphore(%run_scoped3A : memref<!tpu.dma_semaphore, #tpu.memory_space<semaphore_mem>>) src(%dma_wait3A_23 : memref<1000x128xf32, #tpu.memory_space<hbm>>) dst(%dma_wait3A_21 : memref<1000x128xf32, #tpu.memory_space<vmem_shared>>)
        tpu.yield
      }) : () -> ()
    } else {
    }
    %barrier3A = arith.constant 0 : index
    tpu.barrier barrier_id(%barrier3A)
    %scan3A = arith.constant 0 : i32
    %scan3A_3 = arith.constant 0 : i32
    %scan3A_4 = arith.constant 125 : i32
    %scan3A_5 = arith.addi %scan3A_3, %scan3A_4 : i32
    %scan3A_6 = arith.constant 1 : i32
    scf.for %scan3A_14 = %scan3A_3 to %scan3A_5 step %scan3A_6  : i32 {
      %dma_start3A = arith.constant 0 : i32
      %dma_start3A_15 = tpu.memref_slice %arg7[%scan3A_14, %dma_start3A] : memref<125x80xi32, #tpu.memory_space<vmem>> -> memref<1x80xi32, #tpu.memory_space<vmem>>
      %dma_start3A_16 = tpu.memref_squeeze %dma_start3A_15 : memref<1x80xi32, #tpu.memory_space<vmem>> -> memref<80xi32, #tpu.memory_space<vmem>>
      %dma_start3A_17 = arith.constant 0 : i32
      %dma_start3A_18 = arith.constant 0 : i32
      %dma_start3A_19 = tpu.memref_slice %arg2[%dma_start3A_17, %dma_start3A_18] : memref<10000x128xf32, #tpu.memory_space<hbm>> -> memref<10000x128xf32, #tpu.memory_space<hbm>>
      tpu.enqueue_indirect_dma source(%dma_start3A_19 : memref<10000x128xf32, #tpu.memory_space<hbm>>) target(%arg9 : memref<80x128xf32, #tpu.memory_space<vmem>>) offsets(%dma_start3A_16 : memref<80xi32, #tpu.memory_space<vmem>>) semaphore(%arg11 : memref<!tpu.dma_semaphore, #tpu.memory_space<semaphore_mem>>)
      %dma_wait3A = arith.constant 0 : i32
      %dma_wait3A_20 = tpu.memref_slice %arg7[%scan3A_14, %dma_wait3A] : memref<125x80xi32, #tpu.memory_space<vmem>> -> memref<1x80xi32, #tpu.memory_space<vmem>>
      %dma_wait3A_21 = tpu.memref_squeeze %dma_wait3A_20 : memref<1x80xi32, #tpu.memory_space<vmem>> -> memref<80xi32, #tpu.memory_space<vmem>>
      %dma_wait3A_22 = arith.constant 0 : i32
      %dma_wait3A_23 = arith.constant 0 : i32
      %dma_wait3A_24 = tpu.memref_slice %arg2[%dma_wait3A_22, %dma_wait3A_23] : memref<10000x128xf32, #tpu.memory_space<hbm>> -> memref<10000x128xf32, #tpu.memory_space<hbm>>
      tpu.wait_indirect_dma semaphore(%arg11 : memref<!tpu.dma_semaphore, #tpu.memory_space<semaphore_mem>>) src(%dma_wait3A_24 : memref<10000x128xf32, #tpu.memory_space<hbm>>) dst(%arg9 : memref<80x128xf32, #tpu.memory_space<vmem>>)
      "tpu.region"() ({
        %run_scoped3A = tpu.sem_alloc : memref<!tpu.dma_semaphore, #tpu.memory_space<semaphore_mem>>
        %dma_start3A_25 = arith.constant 0 : i32
        %dma_start3A_26 = tpu.memref_slice %arg8[%scan3A_14, %dma_start3A_25] : memref<125x80xi32, #tpu.memory_space<vmem>> -> memref<1x80xi32, #tpu.memory_space<vmem>>
        %dma_start3A_27 = tpu.memref_squeeze %dma_start3A_26 : memref<1x80xi32, #tpu.memory_space<vmem>> -> memref<80xi32, #tpu.memory_space<vmem>>
        %dma_start3A_28 = arith.constant 0 : i32
        %dma_start3A_29 = arith.constant 0 : i32
        %dma_start3A_30 = tpu.memref_slice %arg10[%dma_start3A_28, %dma_start3A_29] : memref<10000x128xf32, #tpu.memory_space<vmem_shared>> -> memref<10000x128xf32, #tpu.memory_space<vmem_shared>>
        tpu.enqueue_indirect_dma source(%arg9 : memref<80x128xf32, #tpu.memory_space<vmem>>) target(%dma_start3A_30 : memref<10000x128xf32, #tpu.memory_space<vmem_shared>>) offsets(%dma_start3A_27 : memref<80xi32, #tpu.memory_space<vmem>>) semaphore(%run_scoped3A : memref<!tpu.dma_semaphore, #tpu.memory_space<semaphore_mem>>) {add = true}
        %dma_wait3A_31 = arith.constant 0 : i32
        %dma_wait3A_32 = tpu.memref_slice %arg8[%scan3A_14, %dma_wait3A_31] : memref<125x80xi32, #tpu.memory_space<vmem>> -> memref<1x80xi32, #tpu.memory_space<vmem>>
        %dma_wait3A_33 = tpu.memref_squeeze %dma_wait3A_32 : memref<1x80xi32, #tpu.memory_space<vmem>> -> memref<80xi32, #tpu.memory_space<vmem>>
        %dma_wait3A_34 = arith.constant 0 : i32
        %dma_wait3A_35 = arith.constant 0 : i32
        %dma_wait3A_36 = tpu.memref_slice %arg10[%dma_wait3A_34, %dma_wait3A_35] : memref<10000x128xf32, #tpu.memory_space<vmem_shared>> -> memref<10000x128xf32, #tpu.memory_space<vmem_shared>>
        tpu.wait_indirect_dma semaphore(%run_scoped3A : memref<!tpu.dma_semaphore, #tpu.memory_space<semaphore_mem>>) src(%arg9 : memref<80x128xf32, #tpu.memory_space<vmem>>) dst(%dma_wait3A_36 : memref<10000x128xf32, #tpu.memory_space<vmem_shared>>)
        tpu.yield
      }) : () -> ()
    }
    %scan3A_7 = arith.constant 125 : i32
    %barrier3A_8 = arith.constant 0 : index
    tpu.barrier barrier_id(%barrier3A_8)
    %lt3A_9 = arith.constant 10 : i32
    %lt3A_10 = arith.cmpi slt, %arg1, %lt3A_9 : i32
    %convert_element_type3A_11 = arith.extui %lt3A_10 : i1 to i32
    %cond3A_12 = arith.constant 0 : i32
    %cond3A_13 = arith.cmpi ne, %convert_element_type3A_11, %cond3A_12 : i32
    scf.if %cond3A_13 {
      %mul3A_14 = arith.constant 1000 : i32
      %mul3A_15 = arith.muli %arg1, %mul3A_14 : i32
      %mul3A_16 = arith.constant 10000 : i32
      %mul3A_17 = arith.muli %arg0, %mul3A_16 : i32
      %mul3A_18 = arith.constant 1000 : i32
      %mul3A_19 = arith.muli %arg1, %mul3A_18 : i32
      %add3A_20 = arith.addi %mul3A_17, %mul3A_19 : i32
      "tpu.region"() ({
        %run_scoped3A = tpu.sem_alloc : memref<!tpu.dma_semaphore, #tpu.memory_space<semaphore_mem>>
        %dma_start3A = arith.constant 0 : i32
        %dma_start3A_21 = tpu.memref_slice %arg6[%add3A_20, %dma_start3A] : memref<20000x128xf32, #tpu.memory_space<hbm>> -> memref<1000x128xf32, #tpu.memory_space<hbm>>
        %dma_start3A_22 = arith.constant 0 : i32
        %dma_start3A_23 = tpu.memref_slice %arg10[%mul3A_15, %dma_start3A_22] : memref<10000x128xf32, #tpu.memory_space<vmem_shared>> -> memref<1000x128xf32, #tpu.memory_space<vmem_shared>>
        tpu.enqueue_dma source(%dma_start3A_23 : memref<1000x128xf32, #tpu.memory_space<vmem_shared>>) target(%dma_start3A_21 : memref<1000x128xf32, #tpu.memory_space<hbm>>) target_semaphore(%run_scoped3A : memref<!tpu.dma_semaphore, #tpu.memory_space<semaphore_mem>>)
        %dma_wait3A = arith.constant 0 : i32
        %dma_wait3A_24 = tpu.memref_slice %arg6[%add3A_20, %dma_wait3A] : memref<20000x128xf32, #tpu.memory_space<hbm>> -> memref<1000x128xf32, #tpu.memory_space<hbm>>
        %dma_wait3A_25 = arith.constant 0 : i32
        %dma_wait3A_26 = tpu.memref_slice %arg10[%mul3A_15, %dma_wait3A_25] : memref<10000x128xf32, #tpu.memory_space<vmem_shared>> -> memref<1000x128xf32, #tpu.memory_space<vmem_shared>>
        tpu.wait_dma2 semaphore(%run_scoped3A : memref<!tpu.dma_semaphore, #tpu.memory_space<semaphore_mem>>) src(%dma_wait3A_26 : memref<1000x128xf32, #tpu.memory_space<vmem_shared>>) dst(%dma_wait3A_24 : memref<1000x128xf32, #tpu.memory_space<hbm>>)
        tpu.yield
      }) : () -> ()
    } else {
    }
    return
  }
}

module attributes {stable_mosaic.version = 14 : i64} {
  func.func @_mlp_body(%arg0: i32, %arg1: memref<1000x128xf32, #tpu.memory_space<vmem>>, %arg2: memref<1000x128xf32, #tpu.memory_space<vmem>>, %arg3: memref<1000x128xf32, #tpu.memory_space<vmem>>, %arg4: memref<128x128xf32, #tpu.memory_space<vmem>>, %arg5: memref<1x128xf32, #tpu.memory_space<vmem>>, %arg6: memref<128x128xf32, #tpu.memory_space<vmem>>, %arg7: memref<1x128xf32, #tpu.memory_space<vmem>>, %arg8: memref<1000x128xf32, #tpu.memory_space<vmem>>, %arg9: memref<1x128xf32, #tpu.memory_space<vmem>>, %arg10: memref<1x128xf32, #tpu.memory_space<vmem>>) attributes {dimension_semantics = [#tpu.dimension_semantics<arbitrary>], iteration_bounds = array<i64: 10>, scalar_prefetch = 0 : i64, scratch_operands = 0 : i64, tpu.core_type = #tpu.core_type<tc>, window_params = [{transform_indices = @transform_0, window_bounds = array<i64: 1000, 128>}, {transform_indices = @transform_1, window_bounds = array<i64: 1000, 128>}, {transform_indices = @transform_2, window_bounds = array<i64: 1000, 128>}, {pipeline_mode = #tpu.pipeline_mode<synchronous>, transform_indices = @transform_3, window_bounds = array<i64: 128, 128>}, {pipeline_mode = #tpu.pipeline_mode<synchronous>, transform_indices = @transform_4, window_bounds = array<i64: 1, 128>}, {pipeline_mode = #tpu.pipeline_mode<synchronous>, transform_indices = @transform_5, window_bounds = array<i64: 128, 128>}, {pipeline_mode = #tpu.pipeline_mode<synchronous>, transform_indices = @transform_6, window_bounds = array<i64: 1, 128>}, {transform_indices = @transform_7, window_bounds = array<i64: 1000, 128>}, {pipeline_mode = #tpu.pipeline_mode<synchronous>, transform_indices = @transform_8, window_bounds = array<i64: 1, 128>}, {pipeline_mode = #tpu.pipeline_mode<synchronous>, transform_indices = @transform_9, window_bounds = array<i64: 1, 128>}]} {
    %get3A = arith.constant 0 : index
    %get3A_0 = arith.constant 0 : index
    %get3A_1 = vector.load %arg1[%get3A, %get3A_0] : memref<1000x128xf32, #tpu.memory_space<vmem>>, vector<1000x128xf32>
    %get3A_2 = arith.constant 0 : index
    %get3A_3 = arith.constant 0 : index
    %get3A_4 = vector.load %arg2[%get3A_2, %get3A_3] : memref<1000x128xf32, #tpu.memory_space<vmem>>, vector<1000x128xf32>
    %add3A = arith.addf %get3A_1, %get3A_4 : vector<1000x128xf32>
    %get3A_5 = arith.constant 0 : index
    %get3A_6 = arith.constant 0 : index
    %get3A_7 = vector.load %arg3[%get3A_5, %get3A_6] : memref<1000x128xf32, #tpu.memory_space<vmem>>, vector<1000x128xf32>
    %add3A_8 = arith.addf %add3A, %get3A_7 : vector<1000x128xf32>
    %get3A_9 = arith.constant 0 : index
    %get3A_10 = arith.constant 0 : index
    %get3A_11 = vector.load %arg4[%get3A_9, %get3A_10] : memref<128x128xf32, #tpu.memory_space<vmem>>, vector<128x128xf32>
    %dot_general3A = arith.constant dense<0.000000e+00> : vector<1000x128xf32>
    %dot_general3A_12 = tpu.matmul %add3A_8, %get3A_11, %dot_general3A {dimension_numbers = #tpu.dot_dimension_numbers<[1], [0], [0], [1], [0, 0, 1, 1], [], []>, transpose_lhs_hint = false} : vector<1000x128xf32>, vector<128x128xf32>, vector<1000x128xf32> -> vector<1000x128xf32>
    %get3A_13 = arith.constant 0 : index
    %get3A_14 = arith.constant 0 : index
    %get3A_15 = vector.load %arg5[%get3A_13, %get3A_14] : memref<1x128xf32, #tpu.memory_space<vmem>>, vector<1x128xf32>
    %add3A_16 = vector.broadcast %get3A_15 : vector<1x128xf32> to vector<1000x128xf32>
    %add3A_17 = arith.addf %dot_general3A_12, %add3A_16 : vector<1000x128xf32>
    %max3A = arith.constant 0.000000e+00 : f32
    %max3A_18 = vector.broadcast %max3A : f32 to vector<1000x128xf32>
    %max3A_19 = arith.maximumf %add3A_17, %max3A_18 : vector<1000x128xf32>
    %get3A_20 = arith.constant 0 : index
    %get3A_21 = arith.constant 0 : index
    %get3A_22 = vector.load %arg6[%get3A_20, %get3A_21] : memref<128x128xf32, #tpu.memory_space<vmem>>, vector<128x128xf32>
    %dot_general3A_23 = arith.constant dense<0.000000e+00> : vector<1000x128xf32>
    %dot_general3A_24 = tpu.matmul %max3A_19, %get3A_22, %dot_general3A_23 {dimension_numbers = #tpu.dot_dimension_numbers<[1], [0], [0], [1], [0, 0, 1, 1], [], []>, transpose_lhs_hint = false} : vector<1000x128xf32>, vector<128x128xf32>, vector<1000x128xf32> -> vector<1000x128xf32>
    %get3A_25 = arith.constant 0 : index
    %get3A_26 = arith.constant 0 : index
    %get3A_27 = vector.load %arg7[%get3A_25, %get3A_26] : memref<1x128xf32, #tpu.memory_space<vmem>>, vector<1x128xf32>
    %add3A_28 = vector.broadcast %get3A_27 : vector<1x128xf32> to vector<1000x128xf32>
    %add3A_29 = arith.addf %dot_general3A_24, %add3A_28 : vector<1000x128xf32>
    %max3A_30 = arith.constant 0.000000e+00 : f32
    %max3A_31 = vector.broadcast %max3A_30 : f32 to vector<1000x128xf32>
    %max3A_32 = arith.maximumf %add3A_29, %max3A_31 : vector<1000x128xf32>
    %swap3A = arith.constant 0 : index
    %swap3A_33 = arith.constant 0 : index
    %swap3A_34 = vector.load %arg8[%swap3A, %swap3A_33] : memref<1000x128xf32, #tpu.memory_space<vmem>>, vector<1000x128xf32>
    tpu.vector_store %arg8[%swap3A, %swap3A_33], %max3A_32 {strides = array<i32>} : memref<1000x128xf32, #tpu.memory_space<vmem>>, vector<1000x128xf32>,
    %eq3A = arith.constant 0 : i32
    %eq3A_35 = arith.cmpi eq, %arg0, %eq3A : i32
    %convert_element_type3A = arith.extui %eq3A_35 : i1 to i32
    %cond3A = arith.constant 0 : i32
    %cond3A_36 = arith.cmpi ne, %convert_element_type3A, %cond3A : i32
    scf.if %cond3A_36 {
      %broadcast_in_dim3A_55 = arith.constant 0.000000e+00 : f32
      %broadcast_in_dim3A_56 = vector.broadcast %broadcast_in_dim3A_55 : f32 to vector<1x128xf32>
      %swap3A_57 = arith.constant 0 : index
      %swap3A_58 = arith.constant 0 : index
      %swap3A_59 = vector.load %arg9[%swap3A_57, %swap3A_58] : memref<1x128xf32, #tpu.memory_space<vmem>>, vector<1x128xf32>
      tpu.vector_store %arg9[%swap3A_57, %swap3A_58], %broadcast_in_dim3A_56 {strides = array<i32>} : memref<1x128xf32, #tpu.memory_space<vmem>>, vector<1x128xf32>,
      %broadcast_in_dim3A_60 = arith.constant 0.000000e+00 : f32
      %broadcast_in_dim3A_61 = vector.broadcast %broadcast_in_dim3A_60 : f32 to vector<1x128xf32>
      %swap3A_62 = arith.constant 0 : index
      %swap3A_63 = arith.constant 0 : index
      %swap3A_64 = vector.load %arg10[%swap3A_62, %swap3A_63] : memref<1x128xf32, #tpu.memory_space<vmem>>, vector<1x128xf32>
      tpu.vector_store %arg10[%swap3A_62, %swap3A_63], %broadcast_in_dim3A_61 {strides = array<i32>} : memref<1x128xf32, #tpu.memory_space<vmem>>, vector<1x128xf32>,
    } else {
    }
    %get3A_37 = arith.constant 0 : index
    %get3A_38 = arith.constant 0 : index
    %get3A_39 = vector.load %arg9[%get3A_37, %get3A_38] : memref<1x128xf32, #tpu.memory_space<vmem>>, vector<1x128xf32>
    %reduce_sum3A = arith.constant dense<0.000000e+00> : vector<128xf32>
    %reduce_sum3A_40 = vector.multi_reduction <add>, %max3A_32, %reduce_sum3A [0] : vector<1000x128xf32> to vector<128xf32>
    %broadcast_in_dim3A = vector.shape_cast %reduce_sum3A_40 : vector<128xf32> to vector<1x128xf32>
    %add3A_41 = arith.addf %get3A_39, %broadcast_in_dim3A : vector<1x128xf32>
    %swap3A_42 = arith.constant 0 : index
    %swap3A_43 = arith.constant 0 : index
    %swap3A_44 = vector.load %arg9[%swap3A_42, %swap3A_43] : memref<1x128xf32, #tpu.memory_space<vmem>>, vector<1x128xf32>
    tpu.vector_store %arg9[%swap3A_42, %swap3A_43], %add3A_41 {strides = array<i32>} : memref<1x128xf32, #tpu.memory_space<vmem>>, vector<1x128xf32>,
    %get3A_45 = arith.constant 0 : index
    %get3A_46 = arith.constant 0 : index
    %get3A_47 = vector.load %arg10[%get3A_45, %get3A_46] : memref<1x128xf32, #tpu.memory_space<vmem>>, vector<1x128xf32>
    %mul3A = arith.mulf %max3A_32, %max3A_32 : vector<1000x128xf32>
    %reduce_sum3A_48 = arith.constant dense<0.000000e+00> : vector<128xf32>
    %reduce_sum3A_49 = vector.multi_reduction <add>, %mul3A, %reduce_sum3A_48 [0] : vector<1000x128xf32> to vector<128xf32>
    %broadcast_in_dim3A_50 = vector.shape_cast %reduce_sum3A_49 : vector<128xf32> to vector<1x128xf32>
    %add3A_51 = arith.addf %get3A_47, %broadcast_in_dim3A_50 : vector<1x128xf32>
    %swap3A_52 = arith.constant 0 : index
    %swap3A_53 = arith.constant 0 : index
    %swap3A_54 = vector.load %arg10[%swap3A_52, %swap3A_53] : memref<1x128xf32, #tpu.memory_space<vmem>>, vector<1x128xf32>
    tpu.vector_store %arg10[%swap3A_52, %swap3A_53], %add3A_51 {strides = array<i32>} : memref<1x128xf32, #tpu.memory_space<vmem>>, vector<1x128xf32>,
    return
  }
  func.func @transform_0(%arg0: i32) -> (i32, i32) {
    %c0_i32 = arith.constant 0 : i32
    %c0_i32_0 = arith.constant 0 : i32
    return %arg0, %c0_i32 : i32, i32
  }
  func.func @transform_1(%arg0: i32) -> (i32, i32) {
    %c0_i32 = arith.constant 0 : i32
    %c0_i32_0 = arith.constant 0 : i32
    return %arg0, %c0_i32 : i32, i32
  }
  func.func @transform_2(%arg0: i32) -> (i32, i32) {
    %c0_i32 = arith.constant 0 : i32
    %c0_i32_0 = arith.constant 0 : i32
    return %arg0, %c0_i32 : i32, i32
  }
  func.func @transform_3(%arg0: i32) -> (i32, i32) {
    %c0_i32 = arith.constant 0 : i32
    %c0_i32_0 = arith.constant 0 : i32
    %c0_i32_1 = arith.constant 0 : i32
    return %c0_i32, %c0_i32_0 : i32, i32
  }
  func.func @transform_4(%arg0: i32) -> (i32, i32) {
    %c0_i32 = arith.constant 0 : i32
    %c0_i32_0 = arith.constant 0 : i32
    %c0_i32_1 = arith.constant 0 : i32
    return %c0_i32, %c0_i32_0 : i32, i32
  }
  func.func @transform_5(%arg0: i32) -> (i32, i32) {
    %c0_i32 = arith.constant 0 : i32
    %c0_i32_0 = arith.constant 0 : i32
    %c0_i32_1 = arith.constant 0 : i32
    return %c0_i32, %c0_i32_0 : i32, i32
  }
  func.func @transform_6(%arg0: i32) -> (i32, i32) {
    %c0_i32 = arith.constant 0 : i32
    %c0_i32_0 = arith.constant 0 : i32
    %c0_i32_1 = arith.constant 0 : i32
    return %c0_i32, %c0_i32_0 : i32, i32
  }
  func.func @transform_7(%arg0: i32) -> (i32, i32) {
    %c0_i32 = arith.constant 0 : i32
    %c0_i32_0 = arith.constant 0 : i32
    return %arg0, %c0_i32 : i32, i32
  }
  func.func @transform_8(%arg0: i32) -> (i32, i32) {
    %c0_i32 = arith.constant 0 : i32
    %c0_i32_0 = arith.constant 0 : i32
    %c0_i32_1 = arith.constant 0 : i32
    return %c0_i32, %c0_i32_0 : i32, i32
  }
  func.func @transform_9(%arg0: i32) -> (i32, i32) {
    %c0_i32 = arith.constant 0 : i32
    %c0_i32_0 = arith.constant 0 : i32
    %c0_i32_1 = arith.constant 0 : i32
    return %c0_i32, %c0_i32_0 : i32, i32
  }
}

module attributes {stable_mosaic.version = 14 : i64} {
  func.func @_bn_body(%arg0: i32, %arg1: memref<1000x128xf32, #tpu.memory_space<vmem>>, %arg2: memref<1x128xf32, #tpu.memory_space<vmem>>, %arg3: memref<1x128xf32, #tpu.memory_space<vmem>>, %arg4: memref<1x128xf32, #tpu.memory_space<vmem>>, %arg5: memref<1x128xf32, #tpu.memory_space<vmem>>, %arg6: memref<1000x128xf32, #tpu.memory_space<vmem>>) attributes {dimension_semantics = [#tpu.dimension_semantics<arbitrary>], iteration_bounds = array<i64: 10>, scalar_prefetch = 0 : i64, scratch_operands = 0 : i64, tpu.core_type = #tpu.core_type<tc>, window_params = [{transform_indices = @transform_0, window_bounds = array<i64: 1000, 128>}, {pipeline_mode = #tpu.pipeline_mode<synchronous>, transform_indices = @transform_1, window_bounds = array<i64: 1, 128>}, {pipeline_mode = #tpu.pipeline_mode<synchronous>, transform_indices = @transform_2, window_bounds = array<i64: 1, 128>}, {pipeline_mode = #tpu.pipeline_mode<synchronous>, transform_indices = @transform_3, window_bounds = array<i64: 1, 128>}, {pipeline_mode = #tpu.pipeline_mode<synchronous>, transform_indices = @transform_4, window_bounds = array<i64: 1, 128>}, {transform_indices = @transform_5, window_bounds = array<i64: 1000, 128>}]} {
    %get3A = arith.constant 0 : index
    %get3A_0 = arith.constant 0 : index
    %get3A_1 = vector.load %arg2[%get3A, %get3A_0] : memref<1x128xf32, #tpu.memory_space<vmem>>, vector<1x128xf32>
    %mul3A = arith.constant 9.99999974E-5 : f32
    %mul3A_2 = vector.broadcast %mul3A : f32 to vector<1x128xf32>
    %mul3A_3 = arith.mulf %get3A_1, %mul3A_2 : vector<1x128xf32>
    %get3A_4 = arith.constant 0 : index
    %get3A_5 = arith.constant 0 : index
    %get3A_6 = vector.load %arg3[%get3A_4, %get3A_5] : memref<1x128xf32, #tpu.memory_space<vmem>>, vector<1x128xf32>
    %mul3A_7 = arith.constant 9.99999974E-5 : f32
    %mul3A_8 = vector.broadcast %mul3A_7 : f32 to vector<1x128xf32>
    %mul3A_9 = arith.mulf %get3A_6, %mul3A_8 : vector<1x128xf32>
    %mul3A_10 = arith.mulf %mul3A_3, %mul3A_3 : vector<1x128xf32>
    %sub3A = arith.subf %mul3A_9, %mul3A_10 : vector<1x128xf32>
    %add3A = arith.constant 9.99999974E-6 : f32
    %add3A_11 = vector.broadcast %add3A : f32 to vector<1x128xf32>
    %add3A_12 = arith.addf %sub3A, %add3A_11 : vector<1x128xf32>
    %rsqrt3A = math.rsqrt %add3A_12 : vector<1x128xf32>
    %get3A_13 = arith.constant 0 : index
    %get3A_14 = arith.constant 0 : index
    %get3A_15 = vector.load %arg4[%get3A_13, %get3A_14] : memref<1x128xf32, #tpu.memory_space<vmem>>, vector<1x128xf32>
    %mul3A_16 = arith.mulf %rsqrt3A, %get3A_15 : vector<1x128xf32>
    %get3A_17 = arith.constant 0 : index
    %get3A_18 = arith.constant 0 : index
    %get3A_19 = vector.load %arg5[%get3A_17, %get3A_18] : memref<1x128xf32, #tpu.memory_space<vmem>>, vector<1x128xf32>
    %mul3A_20 = arith.mulf %mul3A_3, %mul3A_16 : vector<1x128xf32>
    %sub3A_21 = arith.subf %get3A_19, %mul3A_20 : vector<1x128xf32>
    %get3A_22 = arith.constant 0 : index
    %get3A_23 = arith.constant 0 : index
    %get3A_24 = vector.load %arg1[%get3A_22, %get3A_23] : memref<1000x128xf32, #tpu.memory_space<vmem>>, vector<1000x128xf32>
    %mul3A_25 = vector.broadcast %mul3A_16 : vector<1x128xf32> to vector<1000x128xf32>
    %mul3A_26 = arith.mulf %get3A_24, %mul3A_25 : vector<1000x128xf32>
    %add3A_27 = vector.broadcast %sub3A_21 : vector<1x128xf32> to vector<1000x128xf32>
    %add3A_28 = arith.addf %mul3A_26, %add3A_27 : vector<1000x128xf32>
    %swap3A = arith.constant 0 : index
    %swap3A_29 = arith.constant 0 : index
    %swap3A_30 = vector.load %arg6[%swap3A, %swap3A_29] : memref<1000x128xf32, #tpu.memory_space<vmem>>, vector<1000x128xf32>
    tpu.vector_store %arg6[%swap3A, %swap3A_29], %add3A_28 {strides = array<i32>} : memref<1000x128xf32, #tpu.memory_space<vmem>>, vector<1000x128xf32>,
    return
  }
  func.func @transform_0(%arg0: i32) -> (i32, i32) {
    %c0_i32 = arith.constant 0 : i32
    %c0_i32_0 = arith.constant 0 : i32
    return %arg0, %c0_i32 : i32, i32
  }
  func.func @transform_1(%arg0: i32) -> (i32, i32) {
    %c0_i32 = arith.constant 0 : i32
    %c0_i32_0 = arith.constant 0 : i32
    %c0_i32_1 = arith.constant 0 : i32
    return %c0_i32, %c0_i32_0 : i32, i32
  }
  func.func @transform_2(%arg0: i32) -> (i32, i32) {
    %c0_i32 = arith.constant 0 : i32
    %c0_i32_0 = arith.constant 0 : i32
    %c0_i32_1 = arith.constant 0 : i32
    return %c0_i32, %c0_i32_0 : i32, i32
  }
  func.func @transform_3(%arg0: i32) -> (i32, i32) {
    %c0_i32 = arith.constant 0 : i32
    %c0_i32_0 = arith.constant 0 : i32
    %c0_i32_1 = arith.constant 0 : i32
    return %c0_i32, %c0_i32_0 : i32, i32
  }
  func.func @transform_4(%arg0: i32) -> (i32, i32) {
    %c0_i32 = arith.constant 0 : i32
    %c0_i32_0 = arith.constant 0 : i32
    %c0_i32_1 = arith.constant 0 : i32
    return %c0_i32, %c0_i32_0 : i32, i32
  }
  func.func @transform_5(%arg0: i32) -> (i32, i32) {
    %c0_i32 = arith.constant 0 : i32
    %c0_i32_0 = arith.constant 0 : i32
    return %arg0, %c0_i32 : i32, i32
  }
}

module attributes {stable_mosaic.version = 14 : i64} {
  func.func @_head_body(%arg0: i32, %arg1: memref<1000x128xf32, #tpu.memory_space<vmem>>, %arg2: memref<128x128xf32, #tpu.memory_space<vmem>>, %arg3: memref<1x128xf32, #tpu.memory_space<vmem>>, %arg4: memref<128x40xf32, #tpu.memory_space<vmem>>, %arg5: memref<1x40xf32, #tpu.memory_space<vmem>>, %arg6: memref<1000x40xf32, #tpu.memory_space<vmem>>) attributes {dimension_semantics = [#tpu.dimension_semantics<arbitrary>], iteration_bounds = array<i64: 10>, scalar_prefetch = 0 : i64, scratch_operands = 0 : i64, tpu.core_type = #tpu.core_type<tc>, window_params = [{transform_indices = @transform_0, window_bounds = array<i64: 1000, 128>}, {pipeline_mode = #tpu.pipeline_mode<synchronous>, transform_indices = @transform_1, window_bounds = array<i64: 128, 128>}, {pipeline_mode = #tpu.pipeline_mode<synchronous>, transform_indices = @transform_2, window_bounds = array<i64: 1, 128>}, {pipeline_mode = #tpu.pipeline_mode<synchronous>, transform_indices = @transform_3, window_bounds = array<i64: 128, 40>}, {pipeline_mode = #tpu.pipeline_mode<synchronous>, transform_indices = @transform_4, window_bounds = array<i64: 1, 40>}, {transform_indices = @transform_5, window_bounds = array<i64: 1000, 40>}]} {
    %get3A = arith.constant 0 : index
    %get3A_0 = arith.constant 0 : index
    %get3A_1 = vector.load %arg1[%get3A, %get3A_0] : memref<1000x128xf32, #tpu.memory_space<vmem>>, vector<1000x128xf32>
    %get3A_2 = arith.constant 0 : index
    %get3A_3 = arith.constant 0 : index
    %get3A_4 = vector.load %arg2[%get3A_2, %get3A_3] : memref<128x128xf32, #tpu.memory_space<vmem>>, vector<128x128xf32>
    %dot_general3A = arith.constant dense<0.000000e+00> : vector<1000x128xf32>
    %dot_general3A_5 = tpu.matmul %get3A_1, %get3A_4, %dot_general3A {dimension_numbers = #tpu.dot_dimension_numbers<[1], [0], [0], [1], [0, 0, 1, 1], [], []>, transpose_lhs_hint = false} : vector<1000x128xf32>, vector<128x128xf32>, vector<1000x128xf32> -> vector<1000x128xf32>
    %get3A_6 = arith.constant 0 : index
    %get3A_7 = arith.constant 0 : index
    %get3A_8 = vector.load %arg3[%get3A_6, %get3A_7] : memref<1x128xf32, #tpu.memory_space<vmem>>, vector<1x128xf32>
    %add3A = vector.broadcast %get3A_8 : vector<1x128xf32> to vector<1000x128xf32>
    %add3A_9 = arith.addf %dot_general3A_5, %add3A : vector<1000x128xf32>
    %max3A = arith.constant 0.000000e+00 : f32
    %max3A_10 = vector.broadcast %max3A : f32 to vector<1000x128xf32>
    %max3A_11 = arith.maximumf %add3A_9, %max3A_10 : vector<1000x128xf32>
    %get3A_12 = arith.constant 0 : index
    %get3A_13 = arith.constant 0 : index
    %get3A_14 = vector.load %arg4[%get3A_12, %get3A_13] : memref<128x40xf32, #tpu.memory_space<vmem>>, vector<128x40xf32>
    %dot_general3A_15 = arith.constant dense<0.000000e+00> : vector<1000x40xf32>
    %dot_general3A_16 = tpu.matmul %max3A_11, %get3A_14, %dot_general3A_15 {dimension_numbers = #tpu.dot_dimension_numbers<[1], [0], [0], [1], [0, 0, 1, 1], [], []>, transpose_lhs_hint = false} : vector<1000x128xf32>, vector<128x40xf32>, vector<1000x40xf32> -> vector<1000x40xf32>
    %get3A_17 = arith.constant 0 : index
    %get3A_18 = arith.constant 0 : index
    %get3A_19 = vector.load %arg5[%get3A_17, %get3A_18] : memref<1x40xf32, #tpu.memory_space<vmem>>, vector<1x40xf32>
    %add3A_20 = vector.broadcast %get3A_19 : vector<1x40xf32> to vector<1000x40xf32>
    %add3A_21 = arith.addf %dot_general3A_16, %add3A_20 : vector<1000x40xf32>
    %reduce_max3A = arith.constant dense<0xFF800000> : vector<1000xf32>
    %reduce_max3A_22 = vector.multi_reduction <maximumf>, %add3A_21, %reduce_max3A [1] : vector<1000x40xf32> to vector<1000xf32>
    %broadcast_in_dim3A = vector.shape_cast %reduce_max3A_22 : vector<1000xf32> to vector<1000x1xf32>
    %sub3A = vector.broadcast %broadcast_in_dim3A : vector<1000x1xf32> to vector<1000x40xf32>
    %sub3A_23 = arith.subf %add3A_21, %sub3A : vector<1000x40xf32>
    %exp3A = math.exp %sub3A_23 : vector<1000x40xf32>
    %reduce_sum3A = arith.constant dense<0.000000e+00> : vector<1000xf32>
    %reduce_sum3A_24 = vector.multi_reduction <add>, %exp3A, %reduce_sum3A [1] : vector<1000x40xf32> to vector<1000xf32>
    %broadcast_in_dim3A_25 = vector.shape_cast %reduce_sum3A_24 : vector<1000xf32> to vector<1000x1xf32>
    %log3A = math.log %broadcast_in_dim3A_25 : vector<1000x1xf32>
    %sub3A_26 = vector.broadcast %log3A : vector<1000x1xf32> to vector<1000x40xf32>
    %sub3A_27 = arith.subf %sub3A_23, %sub3A_26 : vector<1000x40xf32>
    %swap3A = arith.constant 0 : index
    %swap3A_28 = arith.constant 0 : index
    %swap3A_29 = vector.load %arg6[%swap3A, %swap3A_28] : memref<1000x40xf32, #tpu.memory_space<vmem>>, vector<1000x40xf32>
    tpu.vector_store %arg6[%swap3A, %swap3A_28], %sub3A_27 {strides = array<i32>} : memref<1000x40xf32, #tpu.memory_space<vmem>>, vector<1000x40xf32>,
    return
  }
  func.func @transform_0(%arg0: i32) -> (i32, i32) {
    %c0_i32 = arith.constant 0 : i32
    %c0_i32_0 = arith.constant 0 : i32
    return %arg0, %c0_i32 : i32, i32
  }
  func.func @transform_1(%arg0: i32) -> (i32, i32) {
    %c0_i32 = arith.constant 0 : i32
    %c0_i32_0 = arith.constant 0 : i32
    %c0_i32_1 = arith.constant 0 : i32
    return %c0_i32, %c0_i32_0 : i32, i32
  }
  func.func @transform_2(%arg0: i32) -> (i32, i32) {
    %c0_i32 = arith.constant 0 : i32
    %c0_i32_0 = arith.constant 0 : i32
    %c0_i32_1 = arith.constant 0 : i32
    return %c0_i32, %c0_i32_0 : i32, i32
  }
  func.func @transform_3(%arg0: i32) -> (i32, i32) {
    %c0_i32 = arith.constant 0 : i32
    %c0_i32_0 = arith.constant 0 : i32
    %c0_i32_1 = arith.constant 0 : i32
    return %c0_i32, %c0_i32_0 : i32, i32
  }
  func.func @transform_4(%arg0: i32) -> (i32, i32) {
    %c0_i32 = arith.constant 0 : i32
    %c0_i32_0 = arith.constant 0 : i32
    %c0_i32_1 = arith.constant 0 : i32
    return %c0_i32, %c0_i32_0 : i32, i32
  }
  func.func @transform_5(%arg0: i32) -> (i32, i32) {
    %c0_i32 = arith.constant 0 : i32
    %c0_i32_0 = arith.constant 0 : i32
    return %arg0, %c0_i32 : i32, i32
  }
}

</mosaic_0001>

<sc_bundles>
// kernel: kernel.12.cloned.1.call-start
scs
__scs_entry_jumppad:
0x0: {  	(pc) =	sbr.rel $0x88, $3  }
0x1: {  	(tag) =	ssettag $0x0;
	lr =	simm.s32 $0x1  }
0x2: {  	[smem:$0x3F95] =	sst lr;
	_ =	strace $0xD0000000  }
0x3: {  	_ = 	snop  }
0x4: {  	_ = 	snop  }
0x5: {  	_ = 	snop  }
0x6: {  	_ = 	snop  }
0x7: {  	_ = 	snop  }
__scs_overlays_trampoline_lowered:
0x8: {  	[smem:$0x3FA4] =	sst s0  }
0x9: {  	[smem:$0x3FA5] =	sst s1  }
0xa: {  	[smem:$0x3FA6] =	sst s2  }
0xb: {  	[smem:$0x3FA7] =	sst s3  }
0xc: {  	[smem:$0x3FA8] =	sst s4  }
0xd: {  	[smem:$0x3FA9] =	sst s5  }
0xe: {  	[smem:$0x3FAA] =	sst s6  }
0xf: {  	[smem:$0x3FAB] =	sst s7  }
0x10: {  	[smem:$0x3FAC] =	sst s8  }
0x11: {  	[smem:$0x3FAD] =	sst s9;
	s0 =	simm.s32 @!p0 $0x0  }
0x12: {  	s1 =	sld [smem:$0x3F93];
	s0 =	simm.s32 @p0 $0x1  }
0x13: {  	[smem:$0x3FAE] =	sst s0;
	s0 =	simm.s32 @!p1 $0x0  }
0x14: {  	s2 =	sld [smem:$0x3F92];
	s0 =	simm.s32 @p1 $0x1  }
0x15: {  	[smem:$0x3FAF] =	sst s0;
	s0 =	simm.s32 @!p2 $0x0  }
0x16: {  	s3 =	sld [smem:$0x3FDB];
	s0 =	simm.s32 @p2 $0x1  }
0x17: {  	s4 =	simm.s32 $0x1BF5;
	[smem:$0x3FB1] =	sst s0  }
0x18: {  	s0 =	sld [smem:$0x3F94];
	_ =	swait.ge [sflag:s4], $0x0  }
0x19: {  	s7 =	sld [smem:$0x3F95]  }
0x1a: {  	s8 =	sadd.s32 $0xFFFFE003, lr  }
0x1b: {  	s9 =	sadd.s32 $0xFFFFFEF7, lr;
	s5 =	simm.s32 $0xFFFFFFFF;
	p2 =	slt.u32 s8, $0xFFFFF086  }
0x1c: {  	p1 =	slt.u32 s9, $0xF7A;
	s5 =	simm.s32 @!p2 $0x0  }
0x1d: {  	s5 =	simm.s32 @p1 $0x1;
	p0 =	seq.s32 s7, s2  }
0x1e: {  	s7 =	smul.u32 @!p0 $0xF7A, s2;
	p2 =	seq.s32 @!p0 s5, $0x0  }
0x1f: {  	s9 =	smul.u32 $0xF7A, s1;
	s8 =	simm.s32 @!p0 $0x1BF5;
	p2 =	por !p2, p0  }
0x20: {  	[sflag:s8] =	ssyncset.s32 @!p0 $0xFFFFF086;
	s6 =	sadd.s32 @!p0 s3, s7;
	s7 =	simm.s32 @!p0 $0x108  }
0x21: {  	s3 =	sadd.s32 s3, s9;
	s6 =	sadd.s32 @!p0 $0x88, s6;
	s7 =	simm.s32 @p2 $0x1082  }
0x22: {  	[simem:s7], [sflag:s8] =	dma.local @!p0 [hbm:s6], $0xF7A  }
0x23: {  	s9 =	sor.u32 $0xD0000000, s2;
	s6 =	simm.s32 $0x108;
	_ =	swait.ge @!p0 [sflag:s8], $0x0  }
0x24: {  	s3 =	sadd.s32 $0x88, s3;
	s6 =	simm.s32 @!p1 $0x1082;
	[sflag:s4] =	ssyncset.s32 $0xFFFFF086  }
0x25: {  	[simem:s6], [sflag:s4] =	dma.local [hbm:s3], $0xF7A  }
0x26: {  	[smem:$0x3F95] =	sst s1;
	(tag) =	ssettag s2;
	_ =	strace s9  }
0x27: {  	s1 =	sld [smem:$0x3FA5]  }
0x28: {  	s2 =	sld [smem:$0x3FA6]  }
0x29: {  	s4 =	sld [smem:$0x3FA8]  }
0x2a: {  	p0 =	seq.s32 s5, $0x0;
	s5 =	sld [smem:$0x3FA9]  }
0x2b: {  	s6 =	sld [smem:$0x3FAA]  }
0x2c: {  	s7 =	sld [smem:$0x3FAB]  }
0x2d: {  	s3 =	simm.s32 $0x108;
	s8 =	sld [smem:$0x3FAC]  }
0x2e: {  	s3 =	simm.s32 @!p0 $0x1082;
	s9 =	sld [smem:$0x3FAD]  }
0x2f: {  	lr =	sadd.s32 s0, s3;
	s0 =	sld [smem:$0x3FA4]  }
0x30: {  	s3 =	sld [smem:$0x3FA7]  }
0x31: {  	[smem:$0x3FB0] =	sst s10  }
0x32: {  	s10 =	sld [smem:$0x3FAE];
	_ =	sdelay $0x3  }
0x33: {  	p0 =	seq.s32 s10, $0x1;
	s10 =	sld [smem:$0x3FB0];
	_ =	sdelay $0x3  }
0x34: {  	[smem:$0x3FB0] =	sst s10  }
0x35: {  	s10 =	sld [smem:$0x3FAF];
	_ =	sdelay $0x3  }
0x36: {  	p1 =	seq.s32 s10, $0x1;
	s10 =	sld [smem:$0x3FB0];
	_ =	sdelay $0x3  }
0x37: {  	[smem:$0x3FB0] =	sst s10  }
0x38: {  	s10 =	sld [smem:$0x3FB1]  }
0x39: {  	_ = 	snop;
	(pc) =	sbr.ind lr, $3  }
0x3a: {  	_ = 	snop  }
0x3b: {  	_ = 	snop  }
0x3c: {  	p2 =	seq.s32 s10, $0x1;
	s10 =	sld [smem:$0x3FB0]  }
0x3d: {  	_ =	shalt  }
0x3e: {  	_ =	shalt  }
0x3f: {  	_ =	shalt  }
0x40: {  	_ =	shalt  }
0x41: {  	_ =	shalt  }
0x42: {  	_ =	shalt  }
0x43: {  	_ =	shalt  }
0x44: {  	_ =	shalt  }
0x45: {  	_ =	shalt  }
0x46: {  	_ =	shalt  }
0x47: {  	_ =	shalt  }
0x48: {  	_ =	shalt  }
0x49: {  	_ =	shalt  }
0x4a: {  	_ =	shalt  }
0x4b: {  	_ =	shalt  }
0x4c: {  	_ =	shalt  }
0x4d: {  	_ =	shalt  }
0x4e: {  	_ =	shalt  }
0x4f: {  	_ =	shalt  }
0x50: {  	_ =	shalt  }
0x51: {  	_ =	shalt  }
0x52: {  	_ =	shalt  }
0x53: {  	_ =	shalt  }
0x54: {  	_ =	shalt  }
0x55: {  	_ =	shalt  }
0x56: {  	_ =	shalt  }
0x57: {  	_ =	shalt  }
0x58: {  	_ =	shalt  }
0x59: {  	_ =	shalt  }
0x5a: {  	_ =	shalt  }
0x5b: {  	_ =	shalt  }
0x5c: {  	_ =	shalt  }
0x5d: {  	_ =	shalt  }
0x5e: {  	_ =	shalt  }
0x5f: {  	_ =	shalt  }
0x60: {  	_ =	shalt  }
0x61: {  	_ =	shalt  }
0x62: {  	_ =	shalt  }
0x63: {  	_ =	shalt  }
0x64: {  	_ =	shalt  }
0x65: {  	_ =	shalt  }
0x66: {  	_ =	shalt  }
0x67: {  	_ =	shalt  }
0x68: {  	_ =	shalt  }
0x69: {  	_ =	shalt  }
0x6a: {  	_ =	shalt  }
0x6b: {  	_ =	shalt  }
0x6c: {  	_ =	shalt  }
0x6d: {  	_ =	shalt  }
0x6e: {  	_ =	shalt  }
0x6f: {  	_ =	shalt  }
0x70: {  	_ =	shalt  }
0x71: {  	_ =	shalt  }
0x72: {  	_ =	shalt  }
0x73: {  	_ =	shalt  }
0x74: {  	_ =	shalt  }
0x75: {  	_ =	shalt  }
0x76: {  	_ =	shalt  }
0x77: {  	_ =	shalt  }
0x78: {  	_ =	shalt  }
0x79: {  	_ =	shalt  }
0x7a: {  	_ =	shalt  }
0x7b: {  	_ =	shalt  }
0x7c: {  	_ =	shalt  }
0x7d: {  	_ =	shalt  }
0x7e: {  	_ =	shalt  }
0x7f: {  	_ =	shalt  }
0x80: {  	_ =	shalt  }
0x81: {  	_ =	shalt  }
0x82: {  	_ =	shalt  }
0x83: {  	_ =	shalt  }
0x84: {  	_ =	shalt  }
0x85: {  	_ =	shalt  }
0x86: {  	_ =	shalt  }
0x87: {  	_ =	shalt  }
.Lfunc_end0:
.L_simem_size_0:
called_computation_lowered:
.L_overlay_start_0:
0x88: {  	s2 =	sld [smem:$0x3FD9]  }
0x89: {  	s3 =	sld [smem:$0x3FFE];
	_ =	sdelay $0x1  }
0x8a: {  	s1 =	srdreg.scid  }
0x8b: {  	s0 =	sand.u32 $0x1, s1  }
0x8c: {  	s17 =	sshll.u32 s0, $0xA;
	s2 =	sadd.s32 s3, s2  }
0x8d: {  	s2 =	sadd.s32 s2, s17  }
0x8e: {  	[smem:$0x3FBC] =	sst s2  }
0x8f: {  	_ = 	snop  }
0x90: {  	s2 =	sld [smem:$0x3FC9];
	(tm) =	ssettm $0x1  }
0x91: {  	s18 =	sld [smem:$0x3FFB];
	_ =	sdelay $0x3  }
0x92: {  	_ =	strace s18  }
0x93: {  	s3 =	sld [smem:$0x3FFC];
	_ =	sdelay $0x3  }
0x94: {  	_ =	strace s3  }
0x95: {  	s3 =	sld [smem:$0x3FFD];
	_ =	sdelay $0x3  }
0x96: {  	_ =	strace s3  }
0x97: {  	_ =	strace $0x8FFFFFFF  }
0x98: {  	s19 =	sld [smem:$0x3FDB];
	_ =	sdelay $0x1  }
0x99: {  	s4 =	simm.s32 $_scs_section_size  }
0x9a: {  	s5 =	simm.s32 $_size__tile_overlayer_lowered;
	s6 =	simm.s32 $_tile_overlayer_lowered  }
0x9b: {  	s22 =	simm.s32 $0x1BFF;
	s21 =	sshll.u32 s6, $0x1;
	s3 =	sadd.s32 s4, s19  }
0x9c: {  	s7 =	simm.s32 $0x0;
	s20 =	sshll.u32 s5, $0x1;
	s5 =	sadd.s32 s21, s3  }
0x9d: {  	[timem:s7], [sflag:s22] =	dma.local [hbm:s5], s20  }
0x9e: {  	_ =	swait.ge [sflag:s22], s20  }
0x9f: {  	s4 =	ssub.s32 $0x0, s20;
	[sflag:s22] =	ssyncset.done $0x0  }
0xa0: {  	[sflag:s22] =	ssyncadd.s32 s4;
	_ =	sdelay $0x1  }
0xa1: {  	s23 =	simm.s32 $0x1B8B  }
0xa2: {  	_ =	swait.ge [sflag:s23], $0x1  }
0xa3: {  	[sflag:s23] =	ssyncset.done $0x0  }
0xa4: {  	s25 =	simm.s32 $0x1B8E;
	s24 =	sld [smem:$0x3FFE];
	[sflag:s23] =	ssyncadd.s32 $0xFFFFFFFF  }
0xa5: {  	s26 =	simm.s32 $execute0_lowered;
	[smem:$0x3FD2] =	sst s25  }
0xa6: {  	s5 =	sshll.u32 s26, $0x1;
	_ =	strace $0x80000046;
	[dreg:$0x1] =	wrdreg $0xFFFFFFFF  }
0xa7: {  	s28 =	simm.s32 $_size_execute0_lowered;
	s3 =	sadd.s32 s3, s5;
	[dreg:$0x0] =	wrdreg $0x0  }
0xa8: {  	s5 =	sshll.u32 s28, $0x1;
	[dreg:$0x2] =	wrdreg s3  }
0xa9: {  	[dreg:$0x3] =	wrdreg s5  }
0xaa: {  	[dreg:$0x4] =	wrdreg $0xC0  }
0xab: {  	_ =	task [dreg:s7], $0x5FFFF  }
0xac: {  	[dreg:$0x1] =	wrdreg $0xFFFFFFFF  }
0xad: {  	[dreg:$0x0] =	wrdreg $0x60  }
0xae: {  	[dreg:$0x2] =	wrdreg s2  }
0xaf: {  	[dreg:$0x3] =	wrdreg s24  }
0xb0: {  	[dreg:$0x4] =	wrdreg $0xA8000  }
0xb1: {  	[dreg:$0x5] =	wrdreg $0x9  }
0xb2: {  	_ =	task.clear_ibuf [dreg:s7], $0x6FFFF;
	_ =	strace $0x90000046  }
0xb3: {  	s29 =	simm.s32 $0x9;
	_ =	strace $0x80000048  }
0xb4: {  	_ =	swait.ge [sflag:s29], $0x1  }
0xb5: {  	[sflag:s29] =	ssyncadd.s32 $0xFFFFFFFF  }
0xb6: {  	_ =	strace $0x90000048  }
0xb7: {  	_ =	sfence  }
0xb8: {  	s30 =	sld [smem:$0x0];
	_ =	sdelay $0x2  }
0xb9: {  	s31 =	sshll.u32 s1, $0xD;
	s1 =	sshrl.u32 s1, $0x2  }
0xba: {  	s3 =	sand.u32 $0x4000, s31;
	s1 =	sadd.s32 s1, s30  }
0xbb: {  	s0 =	sor.u32 s3, s0;
	s1 =	sshll.u32 s1, $0x11  }
0xbc: {  	s0 =	sor.u32 s1, s0  }
0xbd: {  	s0 =	sadd.s32 $0x8F2B, s0  }
0xbe: {  	[sflag:s0] =	ssyncadd.remote.s32 $0x1  }
0xbf: {  	_ =	sfence.sel $0xFFFF  }
0xc0: {  	[dreg:$0x0] =	wrdreg $0xFFFFFFFF;
	(pc) =	sbr.abs _section_cstart, $3  }
0xc1: {  	[dreg:$0x1] =	wrdreg $0xFFFFFFFF  }
0xc2: {  	_ =	task.clear_ibuf [dreg:s7], $0x2FFFF;
	_ =	strace $0x9FFFFFFF  }
0xc3: {  	(tm) =	ssettm $0x7FFFFFFF  }
tec
execute0_lowered:
.L_overlay_start_1:
0x0: {  	(tag) =	ssettag $0x1  }
0x1: {  	s1 =	rddreg [dreg:$0x0]  }
0x2: {  	s5 =	rddreg [dreg:$0x1]  }
0x3: {  	s3 =	rddreg [dreg:$0x2]  }
0x4: {  	s0 =	rddreg [dreg:$0x3]  }
0x5: {  	s6 =	srdreg.scid;
	s4 =	simm.s32 $0x0;
	s2 =	stileid.u32  }
0x6: {  	s14 =	simm.s32 $0x50;
	s15 =	simm.s32 $0x8000;
	s16 =	simm.s32 $0x1  }
0x7: {  	s17 =	simm.s32 $0x0;
	s6 =	sand.u32 $0x1, s6;
	s9 =	smul.u32 $0x3E80, s2  }
0x8: {  	s7 =	sshll.u32 s2, $0xC;
	[smem:$0x7FF] =	sst s4;
	s10 =	smul.u32 $0x7D000, s2  }
0x9: {  	p0 =	sgt.u32 s2, $0x9;
	s8 =	sshll.u32 s6, $0xB;
	s30 =	smul.u32 $0x27100, s6  }
0xa: {  	_ =	strace $0x80000047;
	s6 =	ssub.s32 $0x2, s6;
	s12 =	sshll.u32 @!p0 s2, $0x6  }
0xb: {  	s7 =	sor.u32 s8, s7;
	s31 =	sshrl.u32 s6, $0x1;
	s10 =	sshrl.u32 s10, $0x2  }
0xc: {  	s12 =	sor.u32 @!p0 $0x1C02, s12;
	s7 =	sadd.s32 s7, s5;
	s8 =	sadd.s32 s9, s30  }
0xd: {  	s9 =	sadd.s32 s9, s5;
	s11 =	ssub.s32 s6, s31;
	s13 =	sadd.s32 s10, s3  }
0xe: {  	s10 =	simm.s32 $0x2;
	s8 =	sadd.s32 s8, s5;
	s5 =	sadd.s32 $0x4600, s7  }
0xf: {  	s6 =	sadd.s32 $0x14600, s7;
	s7 =	sadd.s32 $0x24600, s9;
	s9 =	smax.u32 s11, $0x1  }
0x10: {  	s11 =	simm.s32 $0x4000;
	s13 =	sshrl.u32 @!p0 s13, $0x3;
	s8 =	sadd.s32 $0x4B800, s8  }
.LBB2_1:
0x11: {  	[tilespmem:s4], [sflag:$0x2] =	stream.linear.gather [hbm4b:s5+s4], $0x3E80, $0x38;
	[tilespmem:$0x1E080] =	vst v63  }
0x12: {  	_ =	swait.ge [sflag:s10], $0x3E80  }
0x13: {  	[sflag:s10] =	ssyncset.done $0x0  }
0x14: {  	[sflag:s10] =	ssyncadd.s32 $0xFFFFC180  }
0x15: {  	[tilespmem:s11], [sflag:$0x2] =	stream.linear.gather [hbm4b:s6+s4], $0x3E80, $0x38;
	[tilespmem:$0x1E080] =	vst v63  }
0x16: {  	_ =	swait.ge [sflag:s10], $0x3E80  }
0x17: {  	[sflag:s10] =	ssyncset.done $0x0  }
0x18: {  	s18 =	simm.s32 @!p0 $0x2;
	[sflag:s10] =	ssyncadd.s32 $0xFFFFC180  }
0x19: {  	[spmem:s13], [sflag:s12] =	dma.local @!p0 [hbm:s7], $0x3E80  }
0x1a: {  	_ =	swait.ge @!p0 [sflag:s18], $0x3E80  }
0x1b: {  	[sflag:s18] =	ssyncset.done @!p0 $0x0  }
0x1c: {  	[sflag:s18] =	ssyncadd.s32 @!p0 $0xFFFFC180  }
0x1d: {  	s30 =	simm.s32 $0x0;
	[bflag:$0x0] =	sbarrier.arrive $0xFFFF  }
0x1e: {  	[tilespmem:s15], [sflag:$0x1] =	stream.indirect.gather [hbm4b:s1+s14], $0x80, s30, s14, $0xb8;
	[tilespmem:$0x1E080] =	vst v63  }
0x1f: {  	_ =	swait.ge [sflag:s16], $0x2800  }
0x20: {  	[sflag:s16] =	ssyncset.done $0x0  }
0x21: {  	s31 =	simm.s32 $0x4000;
	[sflag:s16] =	ssyncadd.s32 $0xFFFFD800  }
0x22: {  	[spmem:s3] =	stream.indirect.scatter.add.f32 [tilespmem:s15], [sflag:$0x2], $0x80, s31, s14, $0xb8;
	[tilespmem:$0x1E080] =	vst v63  }
0x23: {  	_ =	swait.ge [sflag:s10], $0x2800  }
0x24: {  	s19 =	simm.s32 $0x400;
	s18 =	simm.s32 $0x200;
	[sflag:s10] =	ssyncset.done $0x0  }
.LBB2_2:
0x25: {  	s20 =	sshra.s32 s18, $0x2  }
0x26: {  	[sflag:s10] =	ssyncadd.s32 $0xFFFFD800;
	s18 =	smov.u32 s19;
	s21 =	sadd.s32 $0x200, s19  }
0x27: {  	[tilespmem:s15], [sflag:$0x1] =	stream.indirect.gather [hbm4b:s1+s14], $0x80, s20, s14, $0xb8;
	[tilespmem:$0x1E080] =	vst v63  }
0x28: {  	p1 =	sne.s32 s19, $0xF800;
	_ =	swait.ge [sflag:s16], $0x2800  }
.Ltmp0:
0x29: {  	[sflag:s16] =	ssyncset.done $0x0;
	(pc) =	sbr.rel @p1 .LBB2_2-.Ltmp0, $4  }
0x2a: {  	s19 =	sadd.s32 $0x4000, s20;
	[sflag:s16] =	ssyncadd.s32 $0xFFFFD800  }
0x2b: {  	[spmem:s3] =	stream.indirect.scatter.add.f32 [tilespmem:s15], [sflag:$0x2], $0x80, s19, s14, $0xb8;
	[tilespmem:$0x1E080] =	vst v63  }
0x2c: {  	_ =	swait.ge [sflag:s10], $0x2800  }
0x2d: {  	s19 =	smov.u32 s21;
	[sflag:s10] =	ssyncset.done $0x0  }
0x2e: {  	s18 =	sshra.s32 s18, $0x2;
	[sflag:s10] =	ssyncadd.s32 $0xFFFFD800  }
0x2f: {  	[tilespmem:s15], [sflag:$0x1] =	stream.indirect.gather [hbm4b:s1+s14], $0x80, s18, s14, $0xb8;
	[tilespmem:$0x1E080] =	vst v63  }
0x30: {  	_ =	swait.ge [sflag:s16], $0x2800  }
0x31: {  	[sflag:s16] =	ssyncset.done $0x0  }
0x32: {  	s18 =	sadd.s32 $0x4000, s18;
	[sflag:s16] =	ssyncadd.s32 $0xFFFFD800  }
0x33: {  	[spmem:s3] =	stream.indirect.scatter.add.f32 [tilespmem:s15], [sflag:$0x2], $0x80, s18, s14, $0xb8;
	[tilespmem:$0x1E080] =	vst v63  }
0x34: {  	_ =	swait.ge [sflag:s10], $0x2800  }
0x35: {  	s17 =	sadd.s32 $0x1, s17;
	[sflag:s10] =	ssyncset.done $0x0  }
0x36: {  	p1 =	sne.s32 s17, s9;
	[sflag:s10] =	ssyncadd.s32 $0xFFFFD800  }
.Ltmp1:
0x37: {  	s18 =	simm.s32 @!p0 $0x2;
	[bflag:$0x0] =	sbarrier.arrive $0xFFFF;
	(pc) =	sbr.rel @p1 .LBB2_1-.Ltmp1, $4  }
0x38: {  	[hbm:s8], [sflag:s12] =	dma.local @!p0 [spmem:s13], $0x3E80  }
0x39: {  	_ =	swait.ge @!p0 [sflag:s18], $0x3E80  }
0x3a: {  	[sflag:s18] =	ssyncset.done @!p0 $0x0  }
0x3b: {  	[sflag:s18] =	ssyncadd.s32 @!p0 $0xFFFFC180  }
0x3c: {  	_ =	sfence.sel $0x180000  }
0x3d: {  	[bflag:$0x0] =	sbarrier.arrive $0xFFFF  }
0x3e: {  	p0 =	sne.s32 s2, $0x0;
	_ =	strace $0x90000047  }
0x3f: {  	s0 =	sadd.s32 @!p0 $0x100000, s0;
	[bflag:$0x2] =	sbarrier.arrive $0xFFFF  }
0x40: {  	[sflag:s0] =	ssyncadd.tile.s32 @!p0 $0x1;
	_ =	shalt  }
.Lfunc_end2:
_tile_overlayer_lowered:
.L_overlay_start_2:
0x41: {  	(tag) =	ssettag $0x2  }
0x42: {  	s0 =	rddreg [dreg:$0x0];
	s2 =	stileid.u32  }
0x43: {  	s1 =	rddreg [dreg:$0x1];
	p0 =	sne.s32 s2, $0x0  }
0x44: {  	s3 =	rddreg [dreg:$0x2];
	[bflag:$0x3] =	sbarrier.arrive $0xFFFF;
	s2 =	simm.s32 @!p0 $0x1C02  }
0x45: {  	[timem:s3], [sflag:s2] =	dma.local @!p0 [hbm:s0], s1  }
0x46: {  	s0 =	simm.s32 @!p0 $0x2  }
0x47: {  	_ =	swait.ge @!p0 [sflag:s0], s1  }
0x48: {  	s1 =	ssub.s32 @!p0 $0x0, s1;
	[sflag:s0] =	ssyncset.done @!p0 $0x0  }
0x49: {  	[sflag:s0] =	ssyncadd.s32 @!p0 s1  }
0x4a: {  	[bflag:$0x3] =	sbarrier.arrive $0xFFFF  }
0x4b: {  	_ =	shalt  }

// kernel: kernel.15.cloned.1.call-start
scs
__scs_entry_jumppad:
0x0: {  	(pc) =	sbr.rel $0x88, $3  }
0x1: {  	(tag) =	ssettag $0x0;
	lr =	simm.s32 $0x1  }
0x2: {  	[smem:$0x3F95] =	sst lr;
	_ =	strace $0xD0000000  }
0x3: {  	_ = 	snop  }
0x4: {  	_ = 	snop  }
0x5: {  	_ = 	snop  }
0x6: {  	_ = 	snop  }
0x7: {  	_ = 	snop  }
__scs_overlays_trampoline_lowered:
0x8: {  	[smem:$0x3FA4] =	sst s0  }
0x9: {  	[smem:$0x3FA5] =	sst s1  }
0xa: {  	[smem:$0x3FA6] =	sst s2  }
0xb: {  	[smem:$0x3FA7] =	sst s3  }
0xc: {  	[smem:$0x3FA8] =	sst s4  }
0xd: {  	[smem:$0x3FA9] =	sst s5  }
0xe: {  	[smem:$0x3FAA] =	sst s6  }
0xf: {  	[smem:$0x3FAB] =	sst s7  }
0x10: {  	[smem:$0x3FAC] =	sst s8  }
0x11: {  	[smem:$0x3FAD] =	sst s9;
	s0 =	simm.s32 @!p0 $0x0  }
0x12: {  	s1 =	sld [smem:$0x3F93];
	s0 =	simm.s32 @p0 $0x1  }
0x13: {  	[smem:$0x3FAE] =	sst s0;
	s0 =	simm.s32 @!p1 $0x0  }
0x14: {  	s2 =	sld [smem:$0x3F92];
	s0 =	simm.s32 @p1 $0x1  }
0x15: {  	[smem:$0x3FAF] =	sst s0;
	s0 =	simm.s32 @!p2 $0x0  }
0x16: {  	s3 =	sld [smem:$0x3FDB];
	s0 =	simm.s32 @p2 $0x1  }
0x17: {  	s4 =	simm.s32 $0x1BF5;
	[smem:$0x3FB1] =	sst s0  }
0x18: {  	s0 =	sld [smem:$0x3F94];
	_ =	swait.ge [sflag:s4], $0x0  }
0x19: {  	s7 =	sld [smem:$0x3F95]  }
0x1a: {  	s8 =	sadd.s32 $0xFFFFE003, lr  }
0x1b: {  	s9 =	sadd.s32 $0xFFFFFEF7, lr;
	s5 =	simm.s32 $0xFFFFFFFF;
	p2 =	slt.u32 s8, $0xFFFFF086  }
0x1c: {  	p1 =	slt.u32 s9, $0xF7A;
	s5 =	simm.s32 @!p2 $0x0  }
0x1d: {  	s5 =	simm.s32 @p1 $0x1;
	p0 =	seq.s32 s7, s2  }
0x1e: {  	s7 =	smul.u32 @!p0 $0xF7A, s2;
	p2 =	seq.s32 @!p0 s5, $0x0  }
0x1f: {  	s9 =	smul.u32 $0xF7A, s1;
	s8 =	simm.s32 @!p0 $0x1BF5;
	p2 =	por !p2, p0  }
0x20: {  	[sflag:s8] =	ssyncset.s32 @!p0 $0xFFFFF086;
	s6 =	sadd.s32 @!p0 s3, s7;
	s7 =	simm.s32 @!p0 $0x108  }
0x21: {  	s3 =	sadd.s32 s3, s9;
	s6 =	sadd.s32 @!p0 $0x88, s6;
	s7 =	simm.s32 @p2 $0x1082  }
0x22: {  	[simem:s7], [sflag:s8] =	dma.local @!p0 [hbm:s6], $0xF7A  }
0x23: {  	s9 =	sor.u32 $0xD0000000, s2;
	s6 =	simm.s32 $0x108;
	_ =	swait.ge @!p0 [sflag:s8], $0x0  }
0x24: {  	s3 =	sadd.s32 $0x88, s3;
	s6 =	simm.s32 @!p1 $0x1082;
	[sflag:s4] =	ssyncset.s32 $0xFFFFF086  }
0x25: {  	[simem:s6], [sflag:s4] =	dma.local [hbm:s3], $0xF7A  }
0x26: {  	[smem:$0x3F95] =	sst s1;
	(tag) =	ssettag s2;
	_ =	strace s9  }
0x27: {  	s1 =	sld [smem:$0x3FA5]  }
0x28: {  	s2 =	sld [smem:$0x3FA6]  }
0x29: {  	s4 =	sld [smem:$0x3FA8]  }
0x2a: {  	p0 =	seq.s32 s5, $0x0;
	s5 =	sld [smem:$0x3FA9]  }
0x2b: {  	s6 =	sld [smem:$0x3FAA]  }
0x2c: {  	s7 =	sld [smem:$0x3FAB]  }
0x2d: {  	s3 =	simm.s32 $0x108;
	s8 =	sld [smem:$0x3FAC]  }
0x2e: {  	s3 =	simm.s32 @!p0 $0x1082;
	s9 =	sld [smem:$0x3FAD]  }
0x2f: {  	lr =	sadd.s32 s0, s3;
	s0 =	sld [smem:$0x3FA4]  }
0x30: {  	s3 =	sld [smem:$0x3FA7]  }
0x31: {  	[smem:$0x3FB0] =	sst s10  }
0x32: {  	s10 =	sld [smem:$0x3FAE];
	_ =	sdelay $0x3  }
0x33: {  	p0 =	seq.s32 s10, $0x1;
	s10 =	sld [smem:$0x3FB0];
	_ =	sdelay $0x3  }
0x34: {  	[smem:$0x3FB0] =	sst s10  }
0x35: {  	s10 =	sld [smem:$0x3FAF];
	_ =	sdelay $0x3  }
0x36: {  	p1 =	seq.s32 s10, $0x1;
	s10 =	sld [smem:$0x3FB0];
	_ =	sdelay $0x3  }
0x37: {  	[smem:$0x3FB0] =	sst s10  }
0x38: {  	s10 =	sld [smem:$0x3FB1]  }
0x39: {  	_ = 	snop;
	(pc) =	sbr.ind lr, $3  }
0x3a: {  	_ = 	snop  }
0x3b: {  	_ = 	snop  }
0x3c: {  	p2 =	seq.s32 s10, $0x1;
	s10 =	sld [smem:$0x3FB0]  }
0x3d: {  	_ =	shalt  }
0x3e: {  	_ =	shalt  }
0x3f: {  	_ =	shalt  }
0x40: {  	_ =	shalt  }
0x41: {  	_ =	shalt  }
0x42: {  	_ =	shalt  }
0x43: {  	_ =	shalt  }
0x44: {  	_ =	shalt  }
0x45: {  	_ =	shalt  }
0x46: {  	_ =	shalt  }
0x47: {  	_ =	shalt  }
0x48: {  	_ =	shalt  }
0x49: {  	_ =	shalt  }
0x4a: {  	_ =	shalt  }
0x4b: {  	_ =	shalt  }
0x4c: {  	_ =	shalt  }
0x4d: {  	_ =	shalt  }
0x4e: {  	_ =	shalt  }
0x4f: {  	_ =	shalt  }
0x50: {  	_ =	shalt  }
0x51: {  	_ =	shalt  }
0x52: {  	_ =	shalt  }
0x53: {  	_ =	shalt  }
0x54: {  	_ =	shalt  }
0x55: {  	_ =	shalt  }
0x56: {  	_ =	shalt  }
0x57: {  	_ =	shalt  }
0x58: {  	_ =	shalt  }
0x59: {  	_ =	shalt  }
0x5a: {  	_ =	shalt  }
0x5b: {  	_ =	shalt  }
0x5c: {  	_ =	shalt  }
0x5d: {  	_ =	shalt  }
0x5e: {  	_ =	shalt  }
0x5f: {  	_ =	shalt  }
0x60: {  	_ =	shalt  }
0x61: {  	_ =	shalt  }
0x62: {  	_ =	shalt  }
0x63: {  	_ =	shalt  }
0x64: {  	_ =	shalt  }
0x65: {  	_ =	shalt  }
0x66: {  	_ =	shalt  }
0x67: {  	_ =	shalt  }
0x68: {  	_ =	shalt  }
0x69: {  	_ =	shalt  }
0x6a: {  	_ =	shalt  }
0x6b: {  	_ =	shalt  }
0x6c: {  	_ =	shalt  }
0x6d: {  	_ =	shalt  }
0x6e: {  	_ =	shalt  }
0x6f: {  	_ =	shalt  }
0x70: {  	_ =	shalt  }
0x71: {  	_ =	shalt  }
0x72: {  	_ =	shalt  }
0x73: {  	_ =	shalt  }
0x74: {  	_ =	shalt  }
0x75: {  	_ =	shalt  }
0x76: {  	_ =	shalt  }
0x77: {  	_ =	shalt  }
0x78: {  	_ =	shalt  }
0x79: {  	_ =	shalt  }
0x7a: {  	_ =	shalt  }
0x7b: {  	_ =	shalt  }
0x7c: {  	_ =	shalt  }
0x7d: {  	_ =	shalt  }
0x7e: {  	_ =	shalt  }
0x7f: {  	_ =	shalt  }
0x80: {  	_ =	shalt  }
0x81: {  	_ =	shalt  }
0x82: {  	_ =	shalt  }
0x83: {  	_ =	shalt  }
0x84: {  	_ =	shalt  }
0x85: {  	_ =	shalt  }
0x86: {  	_ =	shalt  }
0x87: {  	_ =	shalt  }
.Lfunc_end0:
.L_simem_size_0:
called_computation.1_lowered:
.L_overlay_start_0:
0x88: {  	s2 =	sld [smem:$0x3FD9]  }
0x89: {  	s3 =	sld [smem:$0x3FFE];
	_ =	sdelay $0x1  }
0x8a: {  	s1 =	srdreg.scid  }
0x8b: {  	s0 =	sand.u32 $0x1, s1  }
0x8c: {  	s16 =	sshll.u32 s0, $0xA;
	s2 =	sadd.s32 s3, s2  }
0x8d: {  	s2 =	sadd.s32 s2, s16  }
0x8e: {  	[smem:$0x3FBC] =	sst s2  }
0x8f: {  	_ = 	snop  }
0x90: {  	(tm) =	ssettm $0x1  }
0x91: {  	s17 =	sld [smem:$0x3FFB];
	_ =	sdelay $0x3  }
0x92: {  	_ =	strace s17  }
0x93: {  	s2 =	sld [smem:$0x3FFC];
	_ =	sdelay $0x3  }
0x94: {  	_ =	strace s2  }
0x95: {  	s2 =	sld [smem:$0x3FFD];
	_ =	sdelay $0x3  }
0x96: {  	_ =	strace s2  }
0x97: {  	_ =	strace $0x8FFFFFFF  }
0x98: {  	s18 =	sld [smem:$0x3FDB];
	_ =	sdelay $0x1  }
0x99: {  	s19 =	simm.s32 $_scs_section_size  }
0x9a: {  	s4 =	simm.s32 $_size__tile_overlayer_lowered;
	s5 =	simm.s32 $_tile_overlayer_lowered  }
0x9b: {  	s22 =	simm.s32 $0x1BFF;
	s21 =	sshll.u32 s5, $0x1;
	s2 =	sadd.s32 s19, s18  }
0x9c: {  	s6 =	simm.s32 $0x0;
	s20 =	sshll.u32 s4, $0x1;
	s4 =	sadd.s32 s21, s2  }
0x9d: {  	[timem:s6], [sflag:s22] =	dma.local [hbm:s4], s20  }
0x9e: {  	_ =	swait.ge [sflag:s22], s20  }
0x9f: {  	s3 =	ssub.s32 $0x0, s20;
	[sflag:s22] =	ssyncset.done $0x0  }
0xa0: {  	[sflag:s22] =	ssyncadd.s32 s3;
	_ =	sdelay $0x1  }
0xa1: {  	s23 =	simm.s32 $0x1B8B  }
0xa2: {  	_ =	swait.ge [sflag:s23], $0x1  }
0xa3: {  	[sflag:s23] =	ssyncset.done $0x0  }
0xa4: {  	s25 =	simm.s32 $0x1B8E;
	s24 =	sld [smem:$0x3FFE];
	[sflag:s23] =	ssyncadd.s32 $0xFFFFFFFF  }
0xa5: {  	s26 =	simm.s32 $execute0_lowered;
	[smem:$0x3FD2] =	sst s25  }
0xa6: {  	s4 =	sshll.u32 s26, $0x1;
	_ =	strace $0x80000049;
	[dreg:$0x1] =	wrdreg $0xFFFFFFFF  }
0xa7: {  	s28 =	simm.s32 $_size_execute0_lowered;
	s2 =	sadd.s32 s2, s4;
	[dreg:$0x0] =	wrdreg $0x0  }
0xa8: {  	s4 =	sshll.u32 s28, $0x1;
	[dreg:$0x2] =	wrdreg s2  }
0xa9: {  	[dreg:$0x3] =	wrdreg s4  }
0xaa: {  	[dreg:$0x4] =	wrdreg $0xC0  }
0xab: {  	_ =	task [dreg:s6], $0x5FFFF  }
0xac: {  	[dreg:$0x1] =	wrdreg $0xFFFFFFFF  }
0xad: {  	[dreg:$0x0] =	wrdreg $0x60  }
0xae: {  	[dreg:$0x2] =	wrdreg s24  }
0xaf: {  	[dreg:$0x3] =	wrdreg $0xA8000  }
0xb0: {  	[dreg:$0x4] =	wrdreg $0x9  }
0xb1: {  	_ =	task.clear_ibuf [dreg:s6], $0x5FFFF;
	_ =	strace $0x90000049  }
0xb2: {  	s29 =	simm.s32 $0x9;
	_ =	strace $0x8000004B  }
0xb3: {  	_ =	swait.ge [sflag:s29], $0x1  }
0xb4: {  	[sflag:s29] =	ssyncadd.s32 $0xFFFFFFFF  }
0xb5: {  	_ =	strace $0x9000004B  }
0xb6: {  	_ =	sfence  }
0xb7: {  	s30 =	sld [smem:$0x0];
	_ =	sdelay $0x2  }
0xb8: {  	s31 =	sshll.u32 s1, $0xD;
	s1 =	sshrl.u32 s1, $0x2  }
0xb9: {  	s3 =	sand.u32 $0x4000, s31;
	s1 =	sadd.s32 s1, s30  }
0xba: {  	s0 =	sor.u32 s3, s0;
	s1 =	sshll.u32 s1, $0x11  }
0xbb: {  	s0 =	sor.u32 s1, s0  }
0xbc: {  	s0 =	sadd.s32 $0x8F2B, s0  }
0xbd: {  	[sflag:s0] =	ssyncadd.remote.s32 $0x1  }
0xbe: {  	_ =	sfence.sel $0xFFFF  }
0xbf: {  	[dreg:$0x0] =	wrdreg $0xFFFFFFFF;
	(pc) =	sbr.abs _section_cstart, $3  }
0xc0: {  	[dreg:$0x1] =	wrdreg $0xFFFFFFFF  }
0xc1: {  	_ =	task.clear_ibuf [dreg:s6], $0x2FFFF;
	_ =	strace $0x9FFFFFFF  }
0xc2: {  	(tm) =	ssettm $0x7FFFFFFF  }
0xc3: {  	_ =	shalt  }
tec
execute0_lowered:
.L_overlay_start_1:
0x0: {  	(tag) =	ssettag $0x1  }
0x1: {  	s5 =	rddreg [dreg:$0x0]  }
0x2: {  	s2 =	rddreg [dreg:$0x1]  }
0x3: {  	s0 =	rddreg [dreg:$0x2];
	s4 =	srdreg.scid  }
0x4: {  	s3 =	simm.s32 $0x0;
	s1 =	stileid.u32;
	s14 =	simm.s32 $0x50  }
0x5: {  	s15 =	simm.s32 $0x8000;
	s16 =	simm.s32 $0x1;
	s17 =	simm.s32 $0x0  }
0x6: {  	s6 =	sand.u32 $0x1, s4;
	s30 =	sshll.u32 s1, $0xC;
	s8 =	smul.u32 $0x3E80, s1  }
0x7: {  	[smem:$0x7FF] =	sst s3;
	s4 =	sadd.s32 $0x4B800, s5;
	s10 =	smul.u32 $0x7D000, s1  }
0x8: {  	p0 =	sgt.u32 s1, $0x9;
	s7 =	sshll.u32 s6, $0xB;
	s9 =	smul.u32 $0x27100, s6  }
0x9: {  	_ =	strace $0x8000004A;
	s6 =	ssub.s32 $0x2, s6;
	s12 =	sshll.u32 @!p0 s1, $0x6  }
0xa: {  	s7 =	sor.u32 s7, s30;
	s31 =	sshrl.u32 s6, $0x1;
	s10 =	sshrl.u32 s10, $0x2  }
0xb: {  	s12 =	sor.u32 @!p0 $0x1C02, s12;
	s7 =	sadd.s32 s7, s5;
	s9 =	sadd.s32 s8, s9  }
0xc: {  	s8 =	sadd.s32 s8, s5;
	s11 =	ssub.s32 s6, s31;
	s13 =	sadd.s32 s10, s2  }
0xd: {  	s10 =	simm.s32 $0x2;
	s9 =	sadd.s32 s9, s5;
	s5 =	sadd.s32 $0x4600, s7  }
0xe: {  	s6 =	sadd.s32 $0x14600, s7;
	s7 =	sadd.s32 $0x24600, s8;
	s13 =	sshrl.u32 @!p0 s13, $0x3  }
0xf: {  	s8 =	sadd.s32 $0x72A00, s9;
	s9 =	smax.u32 s11, $0x1;
	s11 =	simm.s32 $0x4000  }
.LBB2_1:
0x10: {  	[tilespmem:s3], [sflag:$0x2] =	stream.linear.gather [hbm4b:s5+s3], $0x3E80, $0x38;
	[tilespmem:$0x1E080] =	vst v63  }
0x11: {  	_ =	swait.ge [sflag:s10], $0x3E80  }
0x12: {  	[sflag:s10] =	ssyncset.done $0x0  }
0x13: {  	[sflag:s10] =	ssyncadd.s32 $0xFFFFC180  }
0x14: {  	[tilespmem:s11], [sflag:$0x2] =	stream.linear.gather [hbm4b:s6+s3], $0x3E80, $0x38;
	[tilespmem:$0x1E080] =	vst v63  }
0x15: {  	_ =	swait.ge [sflag:s10], $0x3E80  }
0x16: {  	[sflag:s10] =	ssyncset.done $0x0  }
0x17: {  	s18 =	simm.s32 @!p0 $0x2;
	[sflag:s10] =	ssyncadd.s32 $0xFFFFC180  }
0x18: {  	[spmem:s13], [sflag:s12] =	dma.local @!p0 [hbm:s7], $0x3E80  }
0x19: {  	_ =	swait.ge @!p0 [sflag:s18], $0x3E80  }
0x1a: {  	[sflag:s18] =	ssyncset.done @!p0 $0x0  }
0x1b: {  	[sflag:s18] =	ssyncadd.s32 @!p0 $0xFFFFC180  }
0x1c: {  	s30 =	simm.s32 $0x0;
	[bflag:$0x0] =	sbarrier.arrive $0xFFFF  }
0x1d: {  	[tilespmem:s15], [sflag:$0x1] =	stream.indirect.gather [hbm4b:s4+s14], $0x80, s30, s14, $0xb8;
	[tilespmem:$0x1E080] =	vst v63  }
0x1e: {  	_ =	swait.ge [sflag:s16], $0x2800  }
0x1f: {  	[sflag:s16] =	ssyncset.done $0x0  }
0x20: {  	s31 =	simm.s32 $0x4000;
	[sflag:s16] =	ssyncadd.s32 $0xFFFFD800  }
0x21: {  	[spmem:s2] =	stream.indirect.scatter.add.f32 [tilespmem:s15], [sflag:$0x2], $0x80, s31, s14, $0xb8;
	[tilespmem:$0x1E080] =	vst v63  }
0x22: {  	_ =	swait.ge [sflag:s10], $0x2800  }
0x23: {  	s19 =	simm.s32 $0x400;
	s18 =	simm.s32 $0x200;
	[sflag:s10] =	ssyncset.done $0x0  }
.LBB2_2:
0x24: {  	s20 =	sshra.s32 s18, $0x2  }
0x25: {  	[sflag:s10] =	ssyncadd.s32 $0xFFFFD800;
	s18 =	smov.u32 s19;
	s21 =	sadd.s32 $0x200, s19  }
0x26: {  	[tilespmem:s15], [sflag:$0x1] =	stream.indirect.gather [hbm4b:s4+s14], $0x80, s20, s14, $0xb8;
	[tilespmem:$0x1E080] =	vst v63  }
0x27: {  	p1 =	sne.s32 s19, $0xF800;
	_ =	swait.ge [sflag:s16], $0x2800  }
.Ltmp0:
0x28: {  	[sflag:s16] =	ssyncset.done $0x0;
	(pc) =	sbr.rel @p1 .LBB2_2-.Ltmp0, $4  }
0x29: {  	s19 =	sadd.s32 $0x4000, s20;
	[sflag:s16] =	ssyncadd.s32 $0xFFFFD800  }
0x2a: {  	[spmem:s2] =	stream.indirect.scatter.add.f32 [tilespmem:s15], [sflag:$0x2], $0x80, s19, s14, $0xb8;
	[tilespmem:$0x1E080] =	vst v63  }
0x2b: {  	_ =	swait.ge [sflag:s10], $0x2800  }
0x2c: {  	s19 =	smov.u32 s21;
	[sflag:s10] =	ssyncset.done $0x0  }
0x2d: {  	s18 =	sshra.s32 s18, $0x2;
	[sflag:s10] =	ssyncadd.s32 $0xFFFFD800  }
0x2e: {  	[tilespmem:s15], [sflag:$0x1] =	stream.indirect.gather [hbm4b:s4+s14], $0x80, s18, s14, $0xb8;
	[tilespmem:$0x1E080] =	vst v63  }
0x2f: {  	_ =	swait.ge [sflag:s16], $0x2800  }
0x30: {  	[sflag:s16] =	ssyncset.done $0x0  }
0x31: {  	s18 =	sadd.s32 $0x4000, s18;
	[sflag:s16] =	ssyncadd.s32 $0xFFFFD800  }
0x32: {  	[spmem:s2] =	stream.indirect.scatter.add.f32 [tilespmem:s15], [sflag:$0x2], $0x80, s18, s14, $0xb8;
	[tilespmem:$0x1E080] =	vst v63  }
0x33: {  	_ =	swait.ge [sflag:s10], $0x2800  }
0x34: {  	s17 =	sadd.s32 $0x1, s17;
	[sflag:s10] =	ssyncset.done $0x0  }
0x35: {  	p1 =	sne.s32 s17, s9;
	[sflag:s10] =	ssyncadd.s32 $0xFFFFD800  }
.Ltmp1:
0x36: {  	s18 =	simm.s32 @!p0 $0x2;
	[bflag:$0x0] =	sbarrier.arrive $0xFFFF;
	(pc) =	sbr.rel @p1 .LBB2_1-.Ltmp1, $4  }
0x37: {  	[hbm:s8], [sflag:s12] =	dma.local @!p0 [spmem:s13], $0x3E80  }
0x38: {  	_ =	swait.ge @!p0 [sflag:s18], $0x3E80  }
0x39: {  	[sflag:s18] =	ssyncset.done @!p0 $0x0  }
0x3a: {  	[sflag:s18] =	ssyncadd.s32 @!p0 $0xFFFFC180  }
0x3b: {  	_ =	sfence.sel $0x180000  }
0x3c: {  	[bflag:$0x0] =	sbarrier.arrive $0xFFFF  }
0x3d: {  	p0 =	sne.s32 s1, $0x0;
	_ =	strace $0x9000004A  }
0x3e: {  	s0 =	sadd.s32 @!p0 $0x100000, s0;
	[bflag:$0x2] =	sbarrier.arrive $0xFFFF  }
0x3f: {  	[sflag:s0] =	ssyncadd.tile.s32 @!p0 $0x1;
	_ =	shalt  }
.Lfunc_end2:
_tile_overlayer_lowered:
.L_overlay_start_2:
0x40: {  	(tag) =	ssettag $0x2  }
0x41: {  	s0 =	rddreg [dreg:$0x0];
	s2 =	stileid.u32  }
0x42: {  	s1 =	rddreg [dreg:$0x1];
	p0 =	sne.s32 s2, $0x0  }
0x43: {  	s3 =	rddreg [dreg:$0x2];
	[bflag:$0x3] =	sbarrier.arrive $0xFFFF;
	s2 =	simm.s32 @!p0 $0x1C02  }
0x44: {  	[timem:s3], [sflag:s2] =	dma.local @!p0 [hbm:s0], s1  }
0x45: {  	s0 =	simm.s32 @!p0 $0x2  }
0x46: {  	_ =	swait.ge @!p0 [sflag:s0], s1  }
0x47: {  	s1 =	ssub.s32 @!p0 $0x0, s1;
	[sflag:s0] =	ssyncset.done @!p0 $0x0  }
0x48: {  	[sflag:s0] =	ssyncadd.s32 @!p0 s1  }
0x49: {  	[bflag:$0x3] =	sbarrier.arrive $0xFFFF  }
0x4a: {  	_ =	shalt  }

// kernel: kernel.18.cloned.1.call-start
scs
__scs_entry_jumppad:
0x0: {  	(pc) =	sbr.rel $0x88, $3  }
0x1: {  	(tag) =	ssettag $0x0;
	lr =	simm.s32 $0x1  }
0x2: {  	[smem:$0x3F95] =	sst lr;
	_ =	strace $0xD0000000  }
0x3: {  	_ = 	snop  }
0x4: {  	_ = 	snop  }
0x5: {  	_ = 	snop  }
0x6: {  	_ = 	snop  }
0x7: {  	_ = 	snop  }
__scs_overlays_trampoline_lowered:
0x8: {  	[smem:$0x3FA4] =	sst s0  }
0x9: {  	[smem:$0x3FA5] =	sst s1  }
0xa: {  	[smem:$0x3FA6] =	sst s2  }
0xb: {  	[smem:$0x3FA7] =	sst s3  }
0xc: {  	[smem:$0x3FA8] =	sst s4  }
0xd: {  	[smem:$0x3FA9] =	sst s5  }
0xe: {  	[smem:$0x3FAA] =	sst s6  }
0xf: {  	[smem:$0x3FAB] =	sst s7  }
0x10: {  	[smem:$0x3FAC] =	sst s8  }
0x11: {  	[smem:$0x3FAD] =	sst s9;
	s0 =	simm.s32 @!p0 $0x0  }
0x12: {  	s1 =	sld [smem:$0x3F93];
	s0 =	simm.s32 @p0 $0x1  }
0x13: {  	[smem:$0x3FAE] =	sst s0;
	s0 =	simm.s32 @!p1 $0x0  }
0x14: {  	s2 =	sld [smem:$0x3F92];
	s0 =	simm.s32 @p1 $0x1  }
0x15: {  	[smem:$0x3FAF] =	sst s0;
	s0 =	simm.s32 @!p2 $0x0  }
0x16: {  	s3 =	sld [smem:$0x3FDB];
	s0 =	simm.s32 @p2 $0x1  }
0x17: {  	s4 =	simm.s32 $0x1BF5;
	[smem:$0x3FB1] =	sst s0  }
0x18: {  	s0 =	sld [smem:$0x3F94];
	_ =	swait.ge [sflag:s4], $0x0  }
0x19: {  	s7 =	sld [smem:$0x3F95]  }
0x1a: {  	s8 =	sadd.s32 $0xFFFFE003, lr  }
0x1b: {  	s9 =	sadd.s32 $0xFFFFFEF7, lr;
	s5 =	simm.s32 $0xFFFFFFFF;
	p2 =	slt.u32 s8, $0xFFFFF086  }
0x1c: {  	p1 =	slt.u32 s9, $0xF7A;
	s5 =	simm.s32 @!p2 $0x0  }
0x1d: {  	s5 =	simm.s32 @p1 $0x1;
	p0 =	seq.s32 s7, s2  }
0x1e: {  	s7 =	smul.u32 @!p0 $0xF7A, s2;
	p2 =	seq.s32 @!p0 s5, $0x0  }
0x1f: {  	s9 =	smul.u32 $0xF7A, s1;
	s8 =	simm.s32 @!p0 $0x1BF5;
	p2 =	por !p2, p0  }
0x20: {  	[sflag:s8] =	ssyncset.s32 @!p0 $0xFFFFF086;
	s6 =	sadd.s32 @!p0 s3, s7;
	s7 =	simm.s32 @!p0 $0x108  }
0x21: {  	s3 =	sadd.s32 s3, s9;
	s6 =	sadd.s32 @!p0 $0x88, s6;
	s7 =	simm.s32 @p2 $0x1082  }
0x22: {  	[simem:s7], [sflag:s8] =	dma.local @!p0 [hbm:s6], $0xF7A  }
0x23: {  	s9 =	sor.u32 $0xD0000000, s2;
	s6 =	simm.s32 $0x108;
	_ =	swait.ge @!p0 [sflag:s8], $0x0  }
0x24: {  	s3 =	sadd.s32 $0x88, s3;
	s6 =	simm.s32 @!p1 $0x1082;
	[sflag:s4] =	ssyncset.s32 $0xFFFFF086  }
0x25: {  	[simem:s6], [sflag:s4] =	dma.local [hbm:s3], $0xF7A  }
0x26: {  	[smem:$0x3F95] =	sst s1;
	(tag) =	ssettag s2;
	_ =	strace s9  }
0x27: {  	s1 =	sld [smem:$0x3FA5]  }
0x28: {  	s2 =	sld [smem:$0x3FA6]  }
0x29: {  	s4 =	sld [smem:$0x3FA8]  }
0x2a: {  	p0 =	seq.s32 s5, $0x0;
	s5 =	sld [smem:$0x3FA9]  }
0x2b: {  	s6 =	sld [smem:$0x3FAA]  }
0x2c: {  	s7 =	sld [smem:$0x3FAB]  }
0x2d: {  	s3 =	simm.s32 $0x108;
	s8 =	sld [smem:$0x3FAC]  }
0x2e: {  	s3 =	simm.s32 @!p0 $0x1082;
	s9 =	sld [smem:$0x3FAD]  }
0x2f: {  	lr =	sadd.s32 s0, s3;
	s0 =	sld [smem:$0x3FA4]  }
0x30: {  	s3 =	sld [smem:$0x3FA7]  }
0x31: {  	[smem:$0x3FB0] =	sst s10  }
0x32: {  	s10 =	sld [smem:$0x3FAE];
	_ =	sdelay $0x3  }
0x33: {  	p0 =	seq.s32 s10, $0x1;
	s10 =	sld [smem:$0x3FB0];
	_ =	sdelay $0x3  }
0x34: {  	[smem:$0x3FB0] =	sst s10  }
0x35: {  	s10 =	sld [smem:$0x3FAF];
	_ =	sdelay $0x3  }
0x36: {  	p1 =	seq.s32 s10, $0x1;
	s10 =	sld [smem:$0x3FB0];
	_ =	sdelay $0x3  }
0x37: {  	[smem:$0x3FB0] =	sst s10  }
0x38: {  	s10 =	sld [smem:$0x3FB1]  }
0x39: {  	_ = 	snop;
	(pc) =	sbr.ind lr, $3  }
0x3a: {  	_ = 	snop  }
0x3b: {  	_ = 	snop  }
0x3c: {  	p2 =	seq.s32 s10, $0x1;
	s10 =	sld [smem:$0x3FB0]  }
0x3d: {  	_ =	shalt  }
0x3e: {  	_ =	shalt  }
0x3f: {  	_ =	shalt  }
0x40: {  	_ =	shalt  }
0x41: {  	_ =	shalt  }
0x42: {  	_ =	shalt  }
0x43: {  	_ =	shalt  }
0x44: {  	_ =	shalt  }
0x45: {  	_ =	shalt  }
0x46: {  	_ =	shalt  }
0x47: {  	_ =	shalt  }
0x48: {  	_ =	shalt  }
0x49: {  	_ =	shalt  }
0x4a: {  	_ =	shalt  }
0x4b: {  	_ =	shalt  }
0x4c: {  	_ =	shalt  }
0x4d: {  	_ =	shalt  }
0x4e: {  	_ =	shalt  }
0x4f: {  	_ =	shalt  }
0x50: {  	_ =	shalt  }
0x51: {  	_ =	shalt  }
0x52: {  	_ =	shalt  }
0x53: {  	_ =	shalt  }
0x54: {  	_ =	shalt  }
0x55: {  	_ =	shalt  }
0x56: {  	_ =	shalt  }
0x57: {  	_ =	shalt  }
0x58: {  	_ =	shalt  }
0x59: {  	_ =	shalt  }
0x5a: {  	_ =	shalt  }
0x5b: {  	_ =	shalt  }
0x5c: {  	_ =	shalt  }
0x5d: {  	_ =	shalt  }
0x5e: {  	_ =	shalt  }
0x5f: {  	_ =	shalt  }
0x60: {  	_ =	shalt  }
0x61: {  	_ =	shalt  }
0x62: {  	_ =	shalt  }
0x63: {  	_ =	shalt  }
0x64: {  	_ =	shalt  }
0x65: {  	_ =	shalt  }
0x66: {  	_ =	shalt  }
0x67: {  	_ =	shalt  }
0x68: {  	_ =	shalt  }
0x69: {  	_ =	shalt  }
0x6a: {  	_ =	shalt  }
0x6b: {  	_ =	shalt  }
0x6c: {  	_ =	shalt  }
0x6d: {  	_ =	shalt  }
0x6e: {  	_ =	shalt  }
0x6f: {  	_ =	shalt  }
0x70: {  	_ =	shalt  }
0x71: {  	_ =	shalt  }
0x72: {  	_ =	shalt  }
0x73: {  	_ =	shalt  }
0x74: {  	_ =	shalt  }
0x75: {  	_ =	shalt  }
0x76: {  	_ =	shalt  }
0x77: {  	_ =	shalt  }
0x78: {  	_ =	shalt  }
0x79: {  	_ =	shalt  }
0x7a: {  	_ =	shalt  }
0x7b: {  	_ =	shalt  }
0x7c: {  	_ =	shalt  }
0x7d: {  	_ =	shalt  }
0x7e: {  	_ =	shalt  }
0x7f: {  	_ =	shalt  }
0x80: {  	_ =	shalt  }
0x81: {  	_ =	shalt  }
0x82: {  	_ =	shalt  }
0x83: {  	_ =	shalt  }
0x84: {  	_ =	shalt  }
0x85: {  	_ =	shalt  }
0x86: {  	_ =	shalt  }
0x87: {  	_ =	shalt  }
.Lfunc_end0:
.L_simem_size_0:
called_computation.2_lowered:
.L_overlay_start_0:
0x88: {  	s2 =	sld [smem:$0x3FD9]  }
0x89: {  	s3 =	sld [smem:$0x3FFE];
	_ =	sdelay $0x1  }
0x8a: {  	s1 =	srdreg.scid  }
0x8b: {  	s0 =	sand.u32 $0x1, s1  }
0x8c: {  	s16 =	sshll.u32 s0, $0xA;
	s2 =	sadd.s32 s3, s2  }
0x8d: {  	s2 =	sadd.s32 s2, s16  }
0x8e: {  	[smem:$0x3FBC] =	sst s2  }
0x8f: {  	_ = 	snop  }
0x90: {  	(tm) =	ssettm $0x1  }
0x91: {  	s17 =	sld [smem:$0x3FFB];
	_ =	sdelay $0x3  }
0x92: {  	_ =	strace s17  }
0x93: {  	s2 =	sld [smem:$0x3FFC];
	_ =	sdelay $0x3  }
0x94: {  	_ =	strace s2  }
0x95: {  	s2 =	sld [smem:$0x3FFD];
	_ =	sdelay $0x3  }
0x96: {  	_ =	strace s2  }
0x97: {  	_ =	strace $0x8FFFFFFF  }
0x98: {  	s18 =	sld [smem:$0x3FDB];
	_ =	sdelay $0x1  }
0x99: {  	s19 =	simm.s32 $_scs_section_size  }
0x9a: {  	s4 =	simm.s32 $_size__tile_overlayer_lowered;
	s5 =	simm.s32 $_tile_overlayer_lowered  }
0x9b: {  	s22 =	simm.s32 $0x1BFF;
	s21 =	sshll.u32 s5, $0x1;
	s2 =	sadd.s32 s19, s18  }
0x9c: {  	s6 =	simm.s32 $0x0;
	s20 =	sshll.u32 s4, $0x1;
	s4 =	sadd.s32 s21, s2  }
0x9d: {  	[timem:s6], [sflag:s22] =	dma.local [hbm:s4], s20  }
0x9e: {  	_ =	swait.ge [sflag:s22], s20  }
0x9f: {  	s3 =	ssub.s32 $0x0, s20;
	[sflag:s22] =	ssyncset.done $0x0  }
0xa0: {  	[sflag:s22] =	ssyncadd.s32 s3;
	_ =	sdelay $0x1  }
0xa1: {  	s23 =	simm.s32 $0x1B8B  }
0xa2: {  	_ =	swait.ge [sflag:s23], $0x1  }
0xa3: {  	[sflag:s23] =	ssyncset.done $0x0  }
0xa4: {  	s25 =	simm.s32 $0x1B8E;
	s24 =	sld [smem:$0x3FFE];
	[sflag:s23] =	ssyncadd.s32 $0xFFFFFFFF  }
0xa5: {  	s26 =	simm.s32 $execute0_lowered;
	[smem:$0x3FD2] =	sst s25  }
0xa6: {  	s4 =	sshll.u32 s26, $0x1;
	_ =	strace $0x8000004C;
	[dreg:$0x1] =	wrdreg $0xFFFFFFFF  }
0xa7: {  	s28 =	simm.s32 $_size_execute0_lowered;
	s2 =	sadd.s32 s2, s4;
	[dreg:$0x0] =	wrdreg $0x0  }
0xa8: {  	s4 =	sshll.u32 s28, $0x1;
	[dreg:$0x2] =	wrdreg s2  }
0xa9: {  	[dreg:$0x3] =	wrdreg s4  }
0xaa: {  	[dreg:$0x4] =	wrdreg $0xC0  }
0xab: {  	_ =	task [dreg:s6], $0x5FFFF  }
0xac: {  	[dreg:$0x1] =	wrdreg $0xFFFFFFFF  }
0xad: {  	[dreg:$0x0] =	wrdreg $0x60  }
0xae: {  	[dreg:$0x2] =	wrdreg s24  }
0xaf: {  	[dreg:$0x3] =	wrdreg $0xA8000  }
0xb0: {  	[dreg:$0x4] =	wrdreg $0x9  }
0xb1: {  	_ =	task.clear_ibuf [dreg:s6], $0x5FFFF;
	_ =	strace $0x9000004C  }
0xb2: {  	s29 =	simm.s32 $0x9;
	_ =	strace $0x8000004E  }
0xb3: {  	_ =	swait.ge [sflag:s29], $0x1  }
0xb4: {  	[sflag:s29] =	ssyncadd.s32 $0xFFFFFFFF  }
0xb5: {  	_ =	strace $0x9000004E  }
0xb6: {  	_ =	sfence  }
0xb7: {  	s30 =	sld [smem:$0x0];
	_ =	sdelay $0x2  }
0xb8: {  	s31 =	sshll.u32 s1, $0xD;
	s1 =	sshrl.u32 s1, $0x2  }
0xb9: {  	s3 =	sand.u32 $0x4000, s31;
	s1 =	sadd.s32 s1, s30  }
0xba: {  	s0 =	sor.u32 s3, s0;
	s1 =	sshll.u32 s1, $0x11  }
0xbb: {  	s0 =	sor.u32 s1, s0  }
0xbc: {  	s0 =	sadd.s32 $0x8F2B, s0  }
0xbd: {  	[sflag:s0] =	ssyncadd.remote.s32 $0x1  }
0xbe: {  	_ =	sfence.sel $0xFFFF  }
0xbf: {  	[dreg:$0x0] =	wrdreg $0xFFFFFFFF;
	(pc) =	sbr.abs _section_cstart, $3  }
0xc0: {  	[dreg:$0x1] =	wrdreg $0xFFFFFFFF  }
0xc1: {  	_ =	task.clear_ibuf [dreg:s6], $0x2FFFF;
	_ =	strace $0x9FFFFFFF  }
0xc2: {  	(tm) =	ssettm $0x7FFFFFFF  }
0xc3: {  	_ =	shalt  }
tec
execute0_lowered:
.L_overlay_start_1:
0x0: {  	(tag) =	ssettag $0x1  }
0x1: {  	s5 =	rddreg [dreg:$0x0]  }
0x2: {  	s2 =	rddreg [dreg:$0x1]  }
0x3: {  	s0 =	rddreg [dreg:$0x2];
	s4 =	srdreg.scid  }
0x4: {  	s3 =	simm.s32 $0x0;
	s1 =	stileid.u32;
	s14 =	simm.s32 $0x50  }
0x5: {  	s15 =	simm.s32 $0x8000;
	s16 =	simm.s32 $0x1;
	s17 =	simm.s32 $0x0  }
0x6: {  	s6 =	sand.u32 $0x1, s4;
	s30 =	sshll.u32 s1, $0xC;
	s8 =	smul.u32 $0x3E80, s1  }
0x7: {  	[smem:$0x7FF] =	sst s3;
	s4 =	sadd.s32 $0x4B800, s5;
	s10 =	smul.u32 $0x7D000, s1  }
0x8: {  	p0 =	sgt.u32 s1, $0x9;
	s7 =	sshll.u32 s6, $0xB;
	s9 =	smul.u32 $0x27100, s6  }
0x9: {  	_ =	strace $0x8000004D;
	s6 =	ssub.s32 $0x2, s6;
	s12 =	sshll.u32 @!p0 s1, $0x6  }
0xa: {  	s7 =	sor.u32 s7, s30;
	s31 =	sshrl.u32 s6, $0x1;
	s10 =	sshrl.u32 s10, $0x2  }
0xb: {  	s12 =	sor.u32 @!p0 $0x1C02, s12;
	s7 =	sadd.s32 s7, s5;
	s9 =	sadd.s32 s8, s9  }
0xc: {  	s8 =	sadd.s32 s8, s5;
	s11 =	ssub.s32 s6, s31;
	s13 =	sadd.s32 s10, s2  }
0xd: {  	s10 =	simm.s32 $0x2;
	s9 =	sadd.s32 s9, s5;
	s5 =	sadd.s32 $0x4600, s7  }
0xe: {  	s6 =	sadd.s32 $0x14600, s7;
	s7 =	sadd.s32 $0x24600, s8;
	s13 =	sshrl.u32 @!p0 s13, $0x3  }
0xf: {  	s8 =	sadd.s32 $0x72A00, s9;
	s9 =	smax.u32 s11, $0x1;
	s11 =	simm.s32 $0x4000  }
.LBB2_1:
0x10: {  	[tilespmem:s3], [sflag:$0x2] =	stream.linear.gather [hbm4b:s5+s3], $0x3E80, $0x38;
	[tilespmem:$0x1E080] =	vst v63  }
0x11: {  	_ =	swait.ge [sflag:s10], $0x3E80  }
0x12: {  	[sflag:s10] =	ssyncset.done $0x0  }
0x13: {  	[sflag:s10] =	ssyncadd.s32 $0xFFFFC180  }
0x14: {  	[tilespmem:s11], [sflag:$0x2] =	stream.linear.gather [hbm4b:s6+s3], $0x3E80, $0x38;
	[tilespmem:$0x1E080] =	vst v63  }
0x15: {  	_ =	swait.ge [sflag:s10], $0x3E80  }
0x16: {  	[sflag:s10] =	ssyncset.done $0x0  }
0x17: {  	s18 =	simm.s32 @!p0 $0x2;
	[sflag:s10] =	ssyncadd.s32 $0xFFFFC180  }
0x18: {  	[spmem:s13], [sflag:s12] =	dma.local @!p0 [hbm:s7], $0x3E80  }
0x19: {  	_ =	swait.ge @!p0 [sflag:s18], $0x3E80  }
0x1a: {  	[sflag:s18] =	ssyncset.done @!p0 $0x0  }
0x1b: {  	[sflag:s18] =	ssyncadd.s32 @!p0 $0xFFFFC180  }
0x1c: {  	s30 =	simm.s32 $0x0;
	[bflag:$0x0] =	sbarrier.arrive $0xFFFF  }
0x1d: {  	[tilespmem:s15], [sflag:$0x1] =	stream.indirect.gather [hbm4b:s4+s14], $0x80, s30, s14, $0xb8;
	[tilespmem:$0x1E080] =	vst v63  }
0x1e: {  	_ =	swait.ge [sflag:s16], $0x2800  }
0x1f: {  	[sflag:s16] =	ssyncset.done $0x0  }
0x20: {  	s31 =	simm.s32 $0x4000;
	[sflag:s16] =	ssyncadd.s32 $0xFFFFD800  }
0x21: {  	[spmem:s2] =	stream.indirect.scatter.add.f32 [tilespmem:s15], [sflag:$0x2], $0x80, s31, s14, $0xb8;
	[tilespmem:$0x1E080] =	vst v63  }
0x22: {  	_ =	swait.ge [sflag:s10], $0x2800  }
0x23: {  	s19 =	simm.s32 $0x400;
	s18 =	simm.s32 $0x200;
	[sflag:s10] =	ssyncset.done $0x0  }
.LBB2_2:
0x24: {  	s20 =	sshra.s32 s18, $0x2  }
0x25: {  	[sflag:s10] =	ssyncadd.s32 $0xFFFFD800;
	s18 =	smov.u32 s19;
	s21 =	sadd.s32 $0x200, s19  }
0x26: {  	[tilespmem:s15], [sflag:$0x1] =	stream.indirect.gather [hbm4b:s4+s14], $0x80, s20, s14, $0xb8;
	[tilespmem:$0x1E080] =	vst v63  }
0x27: {  	p1 =	sne.s32 s19, $0xF800;
	_ =	swait.ge [sflag:s16], $0x2800  }
.Ltmp0:
0x28: {  	[sflag:s16] =	ssyncset.done $0x0;
	(pc) =	sbr.rel @p1 .LBB2_2-.Ltmp0, $4  }
0x29: {  	s19 =	sadd.s32 $0x4000, s20;
	[sflag:s16] =	ssyncadd.s32 $0xFFFFD800  }
0x2a: {  	[spmem:s2] =	stream.indirect.scatter.add.f32 [tilespmem:s15], [sflag:$0x2], $0x80, s19, s14, $0xb8;
	[tilespmem:$0x1E080] =	vst v63  }
0x2b: {  	_ =	swait.ge [sflag:s10], $0x2800  }
0x2c: {  	s19 =	smov.u32 s21;
	[sflag:s10] =	ssyncset.done $0x0  }
0x2d: {  	s18 =	sshra.s32 s18, $0x2;
	[sflag:s10] =	ssyncadd.s32 $0xFFFFD800  }
0x2e: {  	[tilespmem:s15], [sflag:$0x1] =	stream.indirect.gather [hbm4b:s4+s14], $0x80, s18, s14, $0xb8;
	[tilespmem:$0x1E080] =	vst v63  }
0x2f: {  	_ =	swait.ge [sflag:s16], $0x2800  }
0x30: {  	[sflag:s16] =	ssyncset.done $0x0  }
0x31: {  	s18 =	sadd.s32 $0x4000, s18;
	[sflag:s16] =	ssyncadd.s32 $0xFFFFD800  }
0x32: {  	[spmem:s2] =	stream.indirect.scatter.add.f32 [tilespmem:s15], [sflag:$0x2], $0x80, s18, s14, $0xb8;
	[tilespmem:$0x1E080] =	vst v63  }
0x33: {  	_ =	swait.ge [sflag:s10], $0x2800  }
0x34: {  	s17 =	sadd.s32 $0x1, s17;
	[sflag:s10] =	ssyncset.done $0x0  }
0x35: {  	p1 =	sne.s32 s17, s9;
	[sflag:s10] =	ssyncadd.s32 $0xFFFFD800  }
.Ltmp1:
0x36: {  	s18 =	simm.s32 @!p0 $0x2;
	[bflag:$0x0] =	sbarrier.arrive $0xFFFF;
	(pc) =	sbr.rel @p1 .LBB2_1-.Ltmp1, $4  }
0x37: {  	[hbm:s8], [sflag:s12] =	dma.local @!p0 [spmem:s13], $0x3E80  }
0x38: {  	_ =	swait.ge @!p0 [sflag:s18], $0x3E80  }
0x39: {  	[sflag:s18] =	ssyncset.done @!p0 $0x0  }
0x3a: {  	[sflag:s18] =	ssyncadd.s32 @!p0 $0xFFFFC180  }
0x3b: {  	_ =	sfence.sel $0x180000  }
0x3c: {  	[bflag:$0x0] =	sbarrier.arrive $0xFFFF  }
0x3d: {  	p0 =	sne.s32 s1, $0x0;
	_ =	strace $0x9000004D  }
0x3e: {  	s0 =	sadd.s32 @!p0 $0x100000, s0;
	[bflag:$0x2] =	sbarrier.arrive $0xFFFF  }
0x3f: {  	[sflag:s0] =	ssyncadd.tile.s32 @!p0 $0x1;
	_ =	shalt  }
.Lfunc_end2:
_tile_overlayer_lowered:
.L_overlay_start_2:
0x40: {  	(tag) =	ssettag $0x2  }
0x41: {  	s0 =	rddreg [dreg:$0x0];
	s2 =	stileid.u32  }
0x42: {  	s1 =	rddreg [dreg:$0x1];
	p0 =	sne.s32 s2, $0x0  }
0x43: {  	s3 =	rddreg [dreg:$0x2];
	[bflag:$0x3] =	sbarrier.arrive $0xFFFF;
	s2 =	simm.s32 @!p0 $0x1C02  }
0x44: {  	[timem:s3], [sflag:s2] =	dma.local @!p0 [hbm:s0], s1  }
0x45: {  	s0 =	simm.s32 @!p0 $0x2  }
0x46: {  	_ =	swait.ge @!p0 [sflag:s0], s1  }
0x47: {  	s1 =	ssub.s32 @!p0 $0x0, s1;
	[sflag:s0] =	ssyncset.done @!p0 $0x0  }
0x48: {  	[sflag:s0] =	ssyncadd.s32 @!p0 s1  }
0x49: {  	[bflag:$0x3] =	sbarrier.arrive $0xFFFF  }
0x4a: {  	_ =	shalt  }

</sc_bundles>
